<compile_context>
chip_gen: v7x
topology: tpu7x:2x2x1
jax: 0.10.2.dev20260603
libtpu: 0.0.44.dev20260713+nightly
codegen_flags: <defaults>
</compile_context>

<pallas_src>
import functools

import jax
import jax.numpy as jnp
from jax import lax
from jax.experimental import pallas as pl
from jax.experimental.pallas import tpu as pltpu
from jax.experimental.pallas import tpu_sc as plsc

N_CAT = 1000
L = 16
NC = 2
NS = 16
NW = NC * NS
CI = 1
NBUF = 2


def _one_hot_sc(x_flat, n0, n1):
    rows_w = n0 // NW
    n_chunks = rows_w // CI
    rpc = CI * n1
    mesh = plsc.VectorSubcoreMesh(core_axis_name="c", subcore_axis_name="s")

    @functools.partial(
        pl.kernel,
        out_type=jax.ShapeDtypeStruct((n0, n1, N_CAT), jnp.float32),
        mesh=mesh,
        scratch_types=[
            pltpu.VMEM((rows_w * n1,), jnp.int32),
            [pltpu.VMEM((CI, n1, N_CAT), jnp.float32)] * NBUF,
            [pltpu.SemaphoreType.DMA] * NBUF,
        ],
        compiler_params=pltpu.CompilerParams(
            needs_layout_passes=False, use_tc_tiling_on_sc=True
        ),
    )
    def body(x_hbm, out_hbm, idx_v, bufs, sems):
        wid = lax.axis_index("s") * NC + lax.axis_index("c")
        i_base = wid * rows_w

        pltpu.sync_copy(x_hbm.at[pl.ds(wid * rows_w * n1, rows_w * n1)], idx_v)

        zeros = jnp.zeros((L,), jnp.float32)
        ones = jnp.ones((L,), jnp.float32)
        lane = lax.iota(jnp.int32, L)

        def zero_body(w, _):
            p = w * L + lane
            idxs = [p // (n1 * N_CAT), (p // N_CAT) % n1, p % N_CAT]
            for b in range(NBUF):
                plsc.store_scatter(bufs[b], idxs, zeros)
            return 0

        lax.fori_loop(0, (CI * n1 * N_CAT) // L, zero_body, 0)

        n_full, tail = divmod(rpc, L)

        def scatter_vals(b, k, vals):
            for g in range(n_full + (1 if tail else 0)):
                cols = idx_v[pl.ds(k * rpc + g * L, L)]
                r = g * L + lane
                idxs = [r // n1, r % n1, cols]
                if g < n_full:
                    plsc.store_scatter(bufs[b], idxs, vals)
                else:
                    plsc.store_scatter(bufs[b], idxs, vals, mask=lane < tail)

        def dma(b, k):
            return pltpu.make_async_copy(
                bufs[b], out_hbm.at[pl.ds(i_base + k * CI, CI)], sems[b]
            )

        for b in range(NBUF):
            scatter_vals(b, b, ones)
            dma(b, b).start()

        def group_body(g, _):
            for b in range(NBUF):
                k = g * NBUF + b
                dma(b, k - NBUF).wait()
                scatter_vals(b, k - NBUF, zeros)
                scatter_vals(b, k, ones)
                dma(b, k).start()
            return 0

        lax.fori_loop(1, n_chunks // NBUF, group_body, 0)

        for b in range(NBUF):
            dma(b, n_chunks - NBUF + b).wait()

    return body(x_flat)


def kernel(x, eye):
    n0, n1 = x.shape
    x_flat = x.astype(jnp.int32).reshape(n0 * n1)
    return _one_hot_sc(x_flat, n0, n1)

# --- scband reference (transcript-rebuilt; emitter-appended) ---
"""Pipeline reference for scband-one-hot-23192823398599 (READ-ONLY COPY).

The authoritative reference and input builder live on the scoring server;
editing this copy changes nothing except your own understanding.
"""

import jax, jax.numpy as jnp
import numpy as np

N_CAT = 1000

def setup_inputs(seed: int = 0) -> dict:
    key = jax.random.key(seed)
    x = jax.random.randint(key, (4096, 26), 0, N_CAT, dtype=jnp.int64)
    eye = jnp.eye(N_CAT, dtype=jnp.float32)
    return {"x": x, "eye": eye}

def reference(x, eye):
    # Faithful translation of torch.eye(n_cat)[x]: row-gather from identity matrix
    out = jnp.take(eye, x, axis=0)
    return out

if __name__ == "__main__":
    import jax
    _d = setup_inputs()
    print(jax.jit(kernel)(*tuple(_d.values())))

</pallas_src>

<mosaic_0001>
#map = affine_map<(d0, d1) -> (0)>
#map1 = affine_map<(d0, d1) -> (0, 0, 0)>
module attributes {stable_mosaic.version = 14 : i64} {
  func.func @body(%arg0: i32, %arg1: i32, %arg2: memref<106496xi32, #tpu.memory_space<hbm>>, %arg3: memref<4096x26x1000xf32, #tpu.memory_space<hbm>>, %arg4: memref<3328xi32, #tpu.memory_space<vmem>>, %arg5: memref<1x26x1000xf32, #tpu.memory_space<vmem>>, %arg6: memref<1x26x1000xf32, #tpu.memory_space<vmem>>, %arg7: memref<!tpu.dma_semaphore, #tpu.memory_space<semaphore_mem>>, %arg8: memref<!tpu.dma_semaphore, #tpu.memory_space<semaphore_mem>>) attributes {dimension_semantics = [#tpu.dimension_semantics<core_parallel>, #tpu.dimension_semantics<subcore_parallel>], iteration_bounds = array<i64: 2, 16>, scalar_prefetch = 0 : i64, scratch_operands = 5 : i64, tpu.core_type = #tpu.core_type<sc_vector_subcore>, window_params = [{transform_indices = #map}, {transform_indices = #map1}]} {
    %mul3A = arith.constant 2 : i32
    %mul3A_0 = arith.muli %arg1, %mul3A : i32
    %add3A = arith.addi %mul3A_0, %arg0 : i32
    %mul3A_1 = arith.constant 128 : i32
    %mul3A_2 = arith.muli %add3A, %mul3A_1 : i32
    %mul3A_3 = arith.constant 128 : i32
    %mul3A_4 = arith.muli %add3A, %mul3A_3 : i32
    %mul3A_5 = arith.constant 26 : i32
    %mul3A_6 = arith.muli %mul3A_4, %mul3A_5 : i32
    "tpu.region"() ({
      %run_scoped3A = tpu.sem_alloc : memref<!tpu.dma_semaphore, #tpu.memory_space<semaphore_mem>>
      %dma_start3A_280 = tpu.memref_slice %arg2[%mul3A_6] : memref<106496xi32, #tpu.memory_space<hbm>> -> memref<3328xi32, #tpu.memory_space<hbm>>
      %dma_start3A_281 = tpu.memref_slice %arg2[%mul3A_6] : memref<106496xi32, #tpu.memory_space<hbm>> -> memref<3328xi32, #tpu.memory_space<hbm>>
      tpu.enqueue_dma source(%dma_start3A_281 : memref<3328xi32, #tpu.memory_space<hbm>>) target(%arg4 : memref<3328xi32, #tpu.memory_space<vmem>>) target_semaphore(%run_scoped3A : memref<!tpu.dma_semaphore, #tpu.memory_space<semaphore_mem>>)
      %dma_wait3A_282 = tpu.memref_slice %arg2[%mul3A_6] : memref<106496xi32, #tpu.memory_space<hbm>> -> memref<3328xi32, #tpu.memory_space<hbm>>
      %dma_wait3A_283 = tpu.memref_slice %arg2[%mul3A_6] : memref<106496xi32, #tpu.memory_space<hbm>> -> memref<3328xi32, #tpu.memory_space<hbm>>
      tpu.wait_dma2 semaphore(%run_scoped3A : memref<!tpu.dma_semaphore, #tpu.memory_space<semaphore_mem>>) src(%dma_wait3A_283 : memref<3328xi32, #tpu.memory_space<hbm>>) dst(%arg4 : memref<3328xi32, #tpu.memory_space<vmem>>)
      tpu.yield
    }) : () -> ()
    %broadcast_in_dim3A = arith.constant 0.000000e+00 : f32
    %broadcast_in_dim3A_7 = vector.broadcast %broadcast_in_dim3A : f32 to vector<16xf32>
    %broadcast_in_dim3A_8 = arith.constant 1.000000e+00 : f32
    %broadcast_in_dim3A_9 = vector.broadcast %broadcast_in_dim3A_8 : f32 to vector<16xf32>
    %iota3A = tpu.iota {dimensions = array<i32: 0>} : vector<16xi32>
    %scan3A = arith.constant 0 : i32
    %scan3A_10 = arith.constant 0 : i32
    %scan3A_11 = arith.constant 1625 : i32
    %scan3A_12 = arith.addi %scan3A_10, %scan3A_11 : i32
    %scan3A_13 = arith.constant 1 : i32
    %scan3A_14 = scf.for %scan3A_280 = %scan3A_10 to %scan3A_12 step %scan3A_13 iter_args(%scan3A_281 = %scan3A) -> (i32)  : i32 {
      %mul3A_282 = arith.constant 16 : i32
      %mul3A_283 = arith.muli %scan3A_280, %mul3A_282 : i32
      %add3A_284 = vector.broadcast %mul3A_283 : i32 to vector<16xi32>
      %add3A_285 = arith.addi %add3A_284, %iota3A : vector<16xi32>
      %jit3A_286 = arith.constant 26000 : i32
      %div3A_287 = vector.broadcast %jit3A_286 : i32 to vector<16xi32>
      %div3A_288 = arith.divsi %add3A_285, %div3A_287 : vector<16xi32>
      %sign3A_289 = arith.constant 0 : i32
      %sign3A_290 = vector.broadcast %sign3A_289 : i32 to vector<16xi32>
      %sign3A_291 = arith.cmpi sgt, %add3A_285, %sign3A_290 : vector<16xi32>
      %sign3A_292 = arith.extui %sign3A_291 : vector<16xi1> to vector<16xi32>
      %sign3A_293 = arith.constant 0 : i32
      %sign3A_294 = vector.broadcast %sign3A_293 : i32 to vector<16xi32>
      %sign3A_295 = arith.cmpi slt, %add3A_285, %sign3A_294 : vector<16xi32>
      %sign3A_296 = arith.extui %sign3A_295 : vector<16xi1> to vector<16xi32>
      %sign3A_297 = arith.subi %sign3A_292, %sign3A_296 : vector<16xi32>
      %sign3A_298 = arith.constant 0 : i32
      %sign3A_299 = arith.cmpi sgt, %jit3A_286, %sign3A_298 : i32
      %sign3A_300 = arith.extui %sign3A_299 : i1 to i32
      %sign3A_301 = arith.constant 0 : i32
      %sign3A_302 = arith.cmpi slt, %jit3A_286, %sign3A_301 : i32
      %sign3A_303 = arith.extui %sign3A_302 : i1 to i32
      %sign3A_304 = arith.subi %sign3A_300, %sign3A_303 : i32
      %ne3A_305 = vector.broadcast %sign3A_304 : i32 to vector<16xi32>
      %ne3A_306 = arith.cmpi ne, %sign3A_297, %ne3A_305 : vector<16xi32>
      %rem3A_307 = vector.broadcast %jit3A_286 : i32 to vector<16xi32>
      %rem3A_308 = arith.remsi %add3A_285, %rem3A_307 : vector<16xi32>
      %ne3A_309 = arith.constant 0 : i32
      %ne3A_310 = vector.broadcast %ne3A_309 : i32 to vector<16xi32>
      %ne3A_311 = arith.cmpi ne, %rem3A_308, %ne3A_310 : vector<16xi32>
      %and3A_312 = arith.andi %ne3A_306, %ne3A_311 : vector<16xi1>
      %sub3A_313 = arith.constant 1 : i32
      %sub3A_314 = vector.broadcast %sub3A_313 : i32 to vector<16xi32>
      %sub3A_315 = arith.subi %div3A_288, %sub3A_314 : vector<16xi32>
      %select_n3A_316 = arith.select %and3A_312, %sub3A_315, %div3A_288 : vector<16xi1>, vector<16xi32>
      %jit3A_317 = arith.constant 1000 : i32
      %div3A_318 = vector.broadcast %jit3A_317 : i32 to vector<16xi32>
      %div3A_319 = arith.divsi %add3A_285, %div3A_318 : vector<16xi32>
      %sign3A_320 = arith.constant 0 : i32
      %sign3A_321 = vector.broadcast %sign3A_320 : i32 to vector<16xi32>
      %sign3A_322 = arith.cmpi sgt, %add3A_285, %sign3A_321 : vector<16xi32>
      %sign3A_323 = arith.extui %sign3A_322 : vector<16xi1> to vector<16xi32>
      %sign3A_324 = arith.constant 0 : i32
      %sign3A_325 = vector.broadcast %sign3A_324 : i32 to vector<16xi32>
      %sign3A_326 = arith.cmpi slt, %add3A_285, %sign3A_325 : vector<16xi32>
      %sign3A_327 = arith.extui %sign3A_326 : vector<16xi1> to vector<16xi32>
      %sign3A_328 = arith.subi %sign3A_323, %sign3A_327 : vector<16xi32>
      %sign3A_329 = arith.constant 0 : i32
      %sign3A_330 = arith.cmpi sgt, %jit3A_317, %sign3A_329 : i32
      %sign3A_331 = arith.extui %sign3A_330 : i1 to i32
      %sign3A_332 = arith.constant 0 : i32
      %sign3A_333 = arith.cmpi slt, %jit3A_317, %sign3A_332 : i32
      %sign3A_334 = arith.extui %sign3A_333 : i1 to i32
      %sign3A_335 = arith.subi %sign3A_331, %sign3A_334 : i32
      %ne3A_336 = vector.broadcast %sign3A_335 : i32 to vector<16xi32>
      %ne3A_337 = arith.cmpi ne, %sign3A_328, %ne3A_336 : vector<16xi32>
      %rem3A_338 = vector.broadcast %jit3A_317 : i32 to vector<16xi32>
      %rem3A_339 = arith.remsi %add3A_285, %rem3A_338 : vector<16xi32>
      %ne3A_340 = arith.constant 0 : i32
      %ne3A_341 = vector.broadcast %ne3A_340 : i32 to vector<16xi32>
      %ne3A_342 = arith.cmpi ne, %rem3A_339, %ne3A_341 : vector<16xi32>
      %and3A_343 = arith.andi %ne3A_337, %ne3A_342 : vector<16xi1>
      %sub3A_344 = arith.constant 1 : i32
      %sub3A_345 = vector.broadcast %sub3A_344 : i32 to vector<16xi32>
      %sub3A_346 = arith.subi %div3A_319, %sub3A_345 : vector<16xi32>
      %select_n3A_347 = arith.select %and3A_343, %sub3A_346, %div3A_319 : vector<16xi1>, vector<16xi32>
      %jit3A_348 = arith.constant 26 : i32
      %eq3A_349 = arith.constant 0 : i32
      %eq3A_350 = arith.cmpi eq, %jit3A_348, %eq3A_349 : i32
      %jit3A_351 = arith.constant 1 : i32
      %select_n3A_352 = arith.select %eq3A_350, %jit3A_351, %jit3A_348 : i32
      %rem3A_353 = vector.broadcast %select_n3A_352 : i32 to vector<16xi32>
      %rem3A_354 = arith.remsi %select_n3A_347, %rem3A_353 : vector<16xi32>
      %ne3A_355 = arith.constant 0 : i32
      %ne3A_356 = vector.broadcast %ne3A_355 : i32 to vector<16xi32>
      %ne3A_357 = arith.cmpi ne, %rem3A_354, %ne3A_356 : vector<16xi32>
      %lt3A_358 = arith.constant 0 : i32
      %lt3A_359 = vector.broadcast %lt3A_358 : i32 to vector<16xi32>
      %lt3A_360 = arith.cmpi slt, %rem3A_354, %lt3A_359 : vector<16xi32>
      %lt3A_361 = arith.constant 0 : i32
      %lt3A_362 = arith.cmpi slt, %select_n3A_352, %lt3A_361 : i32
      %ne3A_363 = vector.broadcast %lt3A_362 : i1 to vector<16xi1>
      %ne3A_364 = vector.broadcast %ne3A_363 : vector<16xi1> to vector<16xi1>
      %ne3A_365 = arith.xori %lt3A_360, %ne3A_364 : vector<16xi1>
      %and3A_366 = arith.andi %ne3A_365, %ne3A_357 : vector<16xi1>
      %add3A_367 = vector.broadcast %select_n3A_352 : i32 to vector<16xi32>
      %add3A_368 = arith.addi %rem3A_354, %add3A_367 : vector<16xi32>
      %select_n3A_369 = arith.select %and3A_366, %add3A_368, %rem3A_354 : vector<16xi1>, vector<16xi32>
      %jit3A_370 = arith.constant 1000 : i32
      %eq3A_371 = arith.constant 0 : i32
      %eq3A_372 = arith.cmpi eq, %jit3A_370, %eq3A_371 : i32
      %jit3A_373 = arith.constant 1 : i32
      %select_n3A_374 = arith.select %eq3A_372, %jit3A_373, %jit3A_370 : i32
      %rem3A_375 = vector.broadcast %select_n3A_374 : i32 to vector<16xi32>
      %rem3A_376 = arith.remsi %add3A_285, %rem3A_375 : vector<16xi32>
      %ne3A_377 = arith.constant 0 : i32
      %ne3A_378 = vector.broadcast %ne3A_377 : i32 to vector<16xi32>
      %ne3A_379 = arith.cmpi ne, %rem3A_376, %ne3A_378 : vector<16xi32>
      %lt3A_380 = arith.constant 0 : i32
      %lt3A_381 = vector.broadcast %lt3A_380 : i32 to vector<16xi32>
      %lt3A_382 = arith.cmpi slt, %rem3A_376, %lt3A_381 : vector<16xi32>
      %lt3A_383 = arith.constant 0 : i32
      %lt3A_384 = arith.cmpi slt, %select_n3A_374, %lt3A_383 : i32
      %ne3A_385 = vector.broadcast %lt3A_384 : i1 to vector<16xi1>
      %ne3A_386 = vector.broadcast %ne3A_385 : vector<16xi1> to vector<16xi1>
      %ne3A_387 = arith.xori %lt3A_382, %ne3A_386 : vector<16xi1>
      %and3A_388 = arith.andi %ne3A_387, %ne3A_379 : vector<16xi1>
      %add3A_389 = vector.broadcast %select_n3A_374 : i32 to vector<16xi32>
      %add3A_390 = arith.addi %rem3A_376, %add3A_389 : vector<16xi32>
      %select_n3A_391 = arith.select %and3A_388, %add3A_390, %rem3A_376 : vector<16xi1>, vector<16xi32>
      tpu.vector_store_idx %arg5[%select_n3A_316, %select_n3A_369, %select_n3A_391], %broadcast_in_dim3A_7 : memref<1x26x1000xf32, #tpu.memory_space<vmem>>[vector<16xi32>, vector<16xi32>, vector<16xi32>], vector<16xf32>,
      tpu.vector_store_idx %arg6[%select_n3A_316, %select_n3A_369, %select_n3A_391], %broadcast_in_dim3A_7 : memref<1x26x1000xf32, #tpu.memory_space<vmem>>[vector<16xi32>, vector<16xi32>, vector<16xi32>], vector<16xf32>,
      %scan3A_392 = arith.constant 0 : i32
      scf.yield %scan3A_392 : i32
    }
    %scan3A_15 = arith.constant 1625 : i32
    %get3A = arith.constant 0 : index
    %get3A_16 = tpu.vector_load %arg4[%get3A] {strides = array<i32>} : memref<3328xi32, #tpu.memory_space<vmem>>, vector<16xi32>,
    %add3A_17 = arith.constant 0 : i32
    %add3A_18 = vector.broadcast %add3A_17 : i32 to vector<16xi32>
    %add3A_19 = arith.addi %add3A_18, %iota3A : vector<16xi32>
    %jit3A = arith.constant 26 : i32
    %div3A = vector.broadcast %jit3A : i32 to vector<16xi32>
    %div3A_20 = arith.divsi %add3A_19, %div3A : vector<16xi32>
    %sign3A = arith.constant 0 : i32
    %sign3A_21 = vector.broadcast %sign3A : i32 to vector<16xi32>
    %sign3A_22 = arith.cmpi sgt, %add3A_19, %sign3A_21 : vector<16xi32>
    %sign3A_23 = arith.extui %sign3A_22 : vector<16xi1> to vector<16xi32>
    %sign3A_24 = arith.constant 0 : i32
    %sign3A_25 = vector.broadcast %sign3A_24 : i32 to vector<16xi32>
    %sign3A_26 = arith.cmpi slt, %add3A_19, %sign3A_25 : vector<16xi32>
    %sign3A_27 = arith.extui %sign3A_26 : vector<16xi1> to vector<16xi32>
    %sign3A_28 = arith.subi %sign3A_23, %sign3A_27 : vector<16xi32>
    %sign3A_29 = arith.constant 0 : i32
    %sign3A_30 = arith.cmpi sgt, %jit3A, %sign3A_29 : i32
    %sign3A_31 = arith.extui %sign3A_30 : i1 to i32
    %sign3A_32 = arith.constant 0 : i32
    %sign3A_33 = arith.cmpi slt, %jit3A, %sign3A_32 : i32
    %sign3A_34 = arith.extui %sign3A_33 : i1 to i32
    %sign3A_35 = arith.subi %sign3A_31, %sign3A_34 : i32
    %ne3A = vector.broadcast %sign3A_35 : i32 to vector<16xi32>
    %ne3A_36 = arith.cmpi ne, %sign3A_28, %ne3A : vector<16xi32>
    %rem3A = vector.broadcast %jit3A : i32 to vector<16xi32>
    %rem3A_37 = arith.remsi %add3A_19, %rem3A : vector<16xi32>
    %ne3A_38 = arith.constant 0 : i32
    %ne3A_39 = vector.broadcast %ne3A_38 : i32 to vector<16xi32>
    %ne3A_40 = arith.cmpi ne, %rem3A_37, %ne3A_39 : vector<16xi32>
    %and3A = arith.andi %ne3A_36, %ne3A_40 : vector<16xi1>
    %sub3A = arith.constant 1 : i32
    %sub3A_41 = vector.broadcast %sub3A : i32 to vector<16xi32>
    %sub3A_42 = arith.subi %div3A_20, %sub3A_41 : vector<16xi32>
    %select_n3A = arith.select %and3A, %sub3A_42, %div3A_20 : vector<16xi1>, vector<16xi32>
    %jit3A_43 = arith.constant 26 : i32
    %eq3A = arith.constant 0 : i32
    %eq3A_44 = arith.cmpi eq, %jit3A_43, %eq3A : i32
    %jit3A_45 = arith.constant 1 : i32
    %select_n3A_46 = arith.select %eq3A_44, %jit3A_45, %jit3A_43 : i32
    %rem3A_47 = vector.broadcast %select_n3A_46 : i32 to vector<16xi32>
    %rem3A_48 = arith.remsi %add3A_19, %rem3A_47 : vector<16xi32>
    %ne3A_49 = arith.constant 0 : i32
    %ne3A_50 = vector.broadcast %ne3A_49 : i32 to vector<16xi32>
    %ne3A_51 = arith.cmpi ne, %rem3A_48, %ne3A_50 : vector<16xi32>
    %lt3A = arith.constant 0 : i32
    %lt3A_52 = vector.broadcast %lt3A : i32 to vector<16xi32>
    %lt3A_53 = arith.cmpi slt, %rem3A_48, %lt3A_52 : vector<16xi32>
    %lt3A_54 = arith.constant 0 : i32
    %lt3A_55 = arith.cmpi slt, %select_n3A_46, %lt3A_54 : i32
    %ne3A_56 = vector.broadcast %lt3A_55 : i1 to vector<16xi1>
    %ne3A_57 = vector.broadcast %ne3A_56 : vector<16xi1> to vector<16xi1>
    %ne3A_58 = arith.xori %lt3A_53, %ne3A_57 : vector<16xi1>
    %and3A_59 = arith.andi %ne3A_58, %ne3A_51 : vector<16xi1>
    %add3A_60 = vector.broadcast %select_n3A_46 : i32 to vector<16xi32>
    %add3A_61 = arith.addi %rem3A_48, %add3A_60 : vector<16xi32>
    %select_n3A_62 = arith.select %and3A_59, %add3A_61, %rem3A_48 : vector<16xi1>, vector<16xi32>
    tpu.vector_store_idx %arg5[%select_n3A, %select_n3A_62, %get3A_16], %broadcast_in_dim3A_9 : memref<1x26x1000xf32, #tpu.memory_space<vmem>>[vector<16xi32>, vector<16xi32>, vector<16xi32>], vector<16xf32>,
    %get3A_63 = arith.constant 16 : index
    %get3A_64 = tpu.vector_load %arg4[%get3A_63] {strides = array<i32>} : memref<3328xi32, #tpu.memory_space<vmem>>, vector<16xi32>,
    %add3A_65 = arith.constant 16 : i32
    %add3A_66 = vector.broadcast %add3A_65 : i32 to vector<16xi32>
    %add3A_67 = arith.addi %add3A_66, %iota3A : vector<16xi32>
    %jit3A_68 = arith.constant 26 : i32
    %div3A_69 = vector.broadcast %jit3A_68 : i32 to vector<16xi32>
    %div3A_70 = arith.divsi %add3A_67, %div3A_69 : vector<16xi32>
    %sign3A_71 = arith.constant 0 : i32
    %sign3A_72 = vector.broadcast %sign3A_71 : i32 to vector<16xi32>
    %sign3A_73 = arith.cmpi sgt, %add3A_67, %sign3A_72 : vector<16xi32>
    %sign3A_74 = arith.extui %sign3A_73 : vector<16xi1> to vector<16xi32>
    %sign3A_75 = arith.constant 0 : i32
    %sign3A_76 = vector.broadcast %sign3A_75 : i32 to vector<16xi32>
    %sign3A_77 = arith.cmpi slt, %add3A_67, %sign3A_76 : vector<16xi32>
    %sign3A_78 = arith.extui %sign3A_77 : vector<16xi1> to vector<16xi32>
    %sign3A_79 = arith.subi %sign3A_74, %sign3A_78 : vector<16xi32>
    %sign3A_80 = arith.constant 0 : i32
    %sign3A_81 = arith.cmpi sgt, %jit3A_68, %sign3A_80 : i32
    %sign3A_82 = arith.extui %sign3A_81 : i1 to i32
    %sign3A_83 = arith.constant 0 : i32
    %sign3A_84 = arith.cmpi slt, %jit3A_68, %sign3A_83 : i32
    %sign3A_85 = arith.extui %sign3A_84 : i1 to i32
    %sign3A_86 = arith.subi %sign3A_82, %sign3A_85 : i32
    %ne3A_87 = vector.broadcast %sign3A_86 : i32 to vector<16xi32>
    %ne3A_88 = arith.cmpi ne, %sign3A_79, %ne3A_87 : vector<16xi32>
    %rem3A_89 = vector.broadcast %jit3A_68 : i32 to vector<16xi32>
    %rem3A_90 = arith.remsi %add3A_67, %rem3A_89 : vector<16xi32>
    %ne3A_91 = arith.constant 0 : i32
    %ne3A_92 = vector.broadcast %ne3A_91 : i32 to vector<16xi32>
    %ne3A_93 = arith.cmpi ne, %rem3A_90, %ne3A_92 : vector<16xi32>
    %and3A_94 = arith.andi %ne3A_88, %ne3A_93 : vector<16xi1>
    %sub3A_95 = arith.constant 1 : i32
    %sub3A_96 = vector.broadcast %sub3A_95 : i32 to vector<16xi32>
    %sub3A_97 = arith.subi %div3A_70, %sub3A_96 : vector<16xi32>
    %select_n3A_98 = arith.select %and3A_94, %sub3A_97, %div3A_70 : vector<16xi1>, vector<16xi32>
    %jit3A_99 = arith.constant 26 : i32
    %eq3A_100 = arith.constant 0 : i32
    %eq3A_101 = arith.cmpi eq, %jit3A_99, %eq3A_100 : i32
    %jit3A_102 = arith.constant 1 : i32
    %select_n3A_103 = arith.select %eq3A_101, %jit3A_102, %jit3A_99 : i32
    %rem3A_104 = vector.broadcast %select_n3A_103 : i32 to vector<16xi32>
    %rem3A_105 = arith.remsi %add3A_67, %rem3A_104 : vector<16xi32>
    %ne3A_106 = arith.constant 0 : i32
    %ne3A_107 = vector.broadcast %ne3A_106 : i32 to vector<16xi32>
    %ne3A_108 = arith.cmpi ne, %rem3A_105, %ne3A_107 : vector<16xi32>
    %lt3A_109 = arith.constant 0 : i32
    %lt3A_110 = vector.broadcast %lt3A_109 : i32 to vector<16xi32>
    %lt3A_111 = arith.cmpi slt, %rem3A_105, %lt3A_110 : vector<16xi32>
    %lt3A_112 = arith.constant 0 : i32
    %lt3A_113 = arith.cmpi slt, %select_n3A_103, %lt3A_112 : i32
    %ne3A_114 = vector.broadcast %lt3A_113 : i1 to vector<16xi1>
    %ne3A_115 = vector.broadcast %ne3A_114 : vector<16xi1> to vector<16xi1>
    %ne3A_116 = arith.xori %lt3A_111, %ne3A_115 : vector<16xi1>
    %and3A_117 = arith.andi %ne3A_116, %ne3A_108 : vector<16xi1>
    %add3A_118 = vector.broadcast %select_n3A_103 : i32 to vector<16xi32>
    %add3A_119 = arith.addi %rem3A_105, %add3A_118 : vector<16xi32>
    %select_n3A_120 = arith.select %and3A_117, %add3A_119, %rem3A_105 : vector<16xi1>, vector<16xi32>
    %lt3A_121 = arith.constant 10 : i32
    %lt3A_122 = vector.broadcast %lt3A_121 : i32 to vector<16xi32>
    %lt3A_123 = arith.cmpi slt, %iota3A, %lt3A_122 : vector<16xi32>
    tpu.vector_store_idx %arg5[%select_n3A_98, %select_n3A_120, %get3A_64], %broadcast_in_dim3A_9 masked %lt3A_123 : memref<1x26x1000xf32, #tpu.memory_space<vmem>>[vector<16xi32>, vector<16xi32>, vector<16xi32>], vector<16xf32>, vector<16xi1>
    %add3A_124 = arith.constant 0 : i32
    %add3A_125 = arith.addi %mul3A_2, %add3A_124 : i32
    %dma_start3A = arith.constant 0 : i32
    %dma_start3A_126 = arith.constant 0 : i32
    %dma_start3A_127 = tpu.memref_slice %arg3[%add3A_125, %dma_start3A, %dma_start3A_126] : memref<4096x26x1000xf32, #tpu.memory_space<hbm>> -> memref<1x26x1000xf32, #tpu.memory_space<hbm>>
    %dma_start3A_128 = arith.constant 0 : i32
    %dma_start3A_129 = arith.constant 0 : i32
    %dma_start3A_130 = tpu.memref_slice %arg3[%add3A_125, %dma_start3A_128, %dma_start3A_129] : memref<4096x26x1000xf32, #tpu.memory_space<hbm>> -> memref<1x26x1000xf32, #tpu.memory_space<hbm>>
    tpu.enqueue_dma source(%arg5 : memref<1x26x1000xf32, #tpu.memory_space<vmem>>) target(%dma_start3A_130 : memref<1x26x1000xf32, #tpu.memory_space<hbm>>) target_semaphore(%arg7 : memref<!tpu.dma_semaphore, #tpu.memory_space<semaphore_mem>>)
    %get3A_131 = arith.constant 26 : index
    %get3A_132 = tpu.vector_load %arg4[%get3A_131] {strides = array<i32>} : memref<3328xi32, #tpu.memory_space<vmem>>, vector<16xi32>,
    %add3A_133 = arith.constant 0 : i32
    %add3A_134 = vector.broadcast %add3A_133 : i32 to vector<16xi32>
    %add3A_135 = arith.addi %add3A_134, %iota3A : vector<16xi32>
    %jit3A_136 = arith.constant 26 : i32
    %div3A_137 = vector.broadcast %jit3A_136 : i32 to vector<16xi32>
    %div3A_138 = arith.divsi %add3A_135, %div3A_137 : vector<16xi32>
    %sign3A_139 = arith.constant 0 : i32
    %sign3A_140 = vector.broadcast %sign3A_139 : i32 to vector<16xi32>
    %sign3A_141 = arith.cmpi sgt, %add3A_135, %sign3A_140 : vector<16xi32>
    %sign3A_142 = arith.extui %sign3A_141 : vector<16xi1> to vector<16xi32>
    %sign3A_143 = arith.constant 0 : i32
    %sign3A_144 = vector.broadcast %sign3A_143 : i32 to vector<16xi32>
    %sign3A_145 = arith.cmpi slt, %add3A_135, %sign3A_144 : vector<16xi32>
    %sign3A_146 = arith.extui %sign3A_145 : vector<16xi1> to vector<16xi32>
    %sign3A_147 = arith.subi %sign3A_142, %sign3A_146 : vector<16xi32>
    %sign3A_148 = arith.constant 0 : i32
    %sign3A_149 = arith.cmpi sgt, %jit3A_136, %sign3A_148 : i32
    %sign3A_150 = arith.extui %sign3A_149 : i1 to i32
    %sign3A_151 = arith.constant 0 : i32
    %sign3A_152 = arith.cmpi slt, %jit3A_136, %sign3A_151 : i32
    %sign3A_153 = arith.extui %sign3A_152 : i1 to i32
    %sign3A_154 = arith.subi %sign3A_150, %sign3A_153 : i32
    %ne3A_155 = vector.broadcast %sign3A_154 : i32 to vector<16xi32>
    %ne3A_156 = arith.cmpi ne, %sign3A_147, %ne3A_155 : vector<16xi32>
    %rem3A_157 = vector.broadcast %jit3A_136 : i32 to vector<16xi32>
    %rem3A_158 = arith.remsi %add3A_135, %rem3A_157 : vector<16xi32>
    %ne3A_159 = arith.constant 0 : i32
    %ne3A_160 = vector.broadcast %ne3A_159 : i32 to vector<16xi32>
    %ne3A_161 = arith.cmpi ne, %rem3A_158, %ne3A_160 : vector<16xi32>
    %and3A_162 = arith.andi %ne3A_156, %ne3A_161 : vector<16xi1>
    %sub3A_163 = arith.constant 1 : i32
    %sub3A_164 = vector.broadcast %sub3A_163 : i32 to vector<16xi32>
    %sub3A_165 = arith.subi %div3A_138, %sub3A_164 : vector<16xi32>
    %select_n3A_166 = arith.select %and3A_162, %sub3A_165, %div3A_138 : vector<16xi1>, vector<16xi32>
    %jit3A_167 = arith.constant 26 : i32
    %eq3A_168 = arith.constant 0 : i32
    %eq3A_169 = arith.cmpi eq, %jit3A_167, %eq3A_168 : i32
    %jit3A_170 = arith.constant 1 : i32
    %select_n3A_171 = arith.select %eq3A_169, %jit3A_170, %jit3A_167 : i32
    %rem3A_172 = vector.broadcast %select_n3A_171 : i32 to vector<16xi32>
    %rem3A_173 = arith.remsi %add3A_135, %rem3A_172 : vector<16xi32>
    %ne3A_174 = arith.constant 0 : i32
    %ne3A_175 = vector.broadcast %ne3A_174 : i32 to vector<16xi32>
    %ne3A_176 = arith.cmpi ne, %rem3A_173, %ne3A_175 : vector<16xi32>
    %lt3A_177 = arith.constant 0 : i32
    %lt3A_178 = vector.broadcast %lt3A_177 : i32 to vector<16xi32>
    %lt3A_179 = arith.cmpi slt, %rem3A_173, %lt3A_178 : vector<16xi32>
    %lt3A_180 = arith.constant 0 : i32
    %lt3A_181 = arith.cmpi slt, %select_n3A_171, %lt3A_180 : i32
    %ne3A_182 = vector.broadcast %lt3A_181 : i1 to vector<16xi1>
    %ne3A_183 = vector.broadcast %ne3A_182 : vector<16xi1> to vector<16xi1>
    %ne3A_184 = arith.xori %lt3A_179, %ne3A_183 : vector<16xi1>
    %and3A_185 = arith.andi %ne3A_184, %ne3A_176 : vector<16xi1>
    %add3A_186 = vector.broadcast %select_n3A_171 : i32 to vector<16xi32>
    %add3A_187 = arith.addi %rem3A_173, %add3A_186 : vector<16xi32>
    %select_n3A_188 = arith.select %and3A_185, %add3A_187, %rem3A_173 : vector<16xi1>, vector<16xi32>
    tpu.vector_store_idx %arg6[%select_n3A_166, %select_n3A_188, %get3A_132], %broadcast_in_dim3A_9 : memref<1x26x1000xf32, #tpu.memory_space<vmem>>[vector<16xi32>, vector<16xi32>, vector<16xi32>], vector<16xf32>,
    %get3A_189 = arith.constant 42 : index
    %get3A_190 = tpu.vector_load %arg4[%get3A_189] {strides = array<i32>} : memref<3328xi32, #tpu.memory_space<vmem>>, vector<16xi32>,
    %add3A_191 = arith.constant 16 : i32
    %add3A_192 = vector.broadcast %add3A_191 : i32 to vector<16xi32>
    %add3A_193 = arith.addi %add3A_192, %iota3A : vector<16xi32>
    %jit3A_194 = arith.constant 26 : i32
    %div3A_195 = vector.broadcast %jit3A_194 : i32 to vector<16xi32>
    %div3A_196 = arith.divsi %add3A_193, %div3A_195 : vector<16xi32>
    %sign3A_197 = arith.constant 0 : i32
    %sign3A_198 = vector.broadcast %sign3A_197 : i32 to vector<16xi32>
    %sign3A_199 = arith.cmpi sgt, %add3A_193, %sign3A_198 : vector<16xi32>
    %sign3A_200 = arith.extui %sign3A_199 : vector<16xi1> to vector<16xi32>
    %sign3A_201 = arith.constant 0 : i32
    %sign3A_202 = vector.broadcast %sign3A_201 : i32 to vector<16xi32>
    %sign3A_203 = arith.cmpi slt, %add3A_193, %sign3A_202 : vector<16xi32>
    %sign3A_204 = arith.extui %sign3A_203 : vector<16xi1> to vector<16xi32>
    %sign3A_205 = arith.subi %sign3A_200, %sign3A_204 : vector<16xi32>
    %sign3A_206 = arith.constant 0 : i32
    %sign3A_207 = arith.cmpi sgt, %jit3A_194, %sign3A_206 : i32
    %sign3A_208 = arith.extui %sign3A_207 : i1 to i32
    %sign3A_209 = arith.constant 0 : i32
    %sign3A_210 = arith.cmpi slt, %jit3A_194, %sign3A_209 : i32
    %sign3A_211 = arith.extui %sign3A_210 : i1 to i32
    %sign3A_212 = arith.subi %sign3A_208, %sign3A_211 : i32
    %ne3A_213 = vector.broadcast %sign3A_212 : i32 to vector<16xi32>
    %ne3A_214 = arith.cmpi ne, %sign3A_205, %ne3A_213 : vector<16xi32>
    %rem3A_215 = vector.broadcast %jit3A_194 : i32 to vector<16xi32>
    %rem3A_216 = arith.remsi %add3A_193, %rem3A_215 : vector<16xi32>
    %ne3A_217 = arith.constant 0 : i32
    %ne3A_218 = vector.broadcast %ne3A_217 : i32 to vector<16xi32>
    %ne3A_219 = arith.cmpi ne, %rem3A_216, %ne3A_218 : vector<16xi32>
    %and3A_220 = arith.andi %ne3A_214, %ne3A_219 : vector<16xi1>
    %sub3A_221 = arith.constant 1 : i32
    %sub3A_222 = vector.broadcast %sub3A_221 : i32 to vector<16xi32>
    %sub3A_223 = arith.subi %div3A_196, %sub3A_222 : vector<16xi32>
    %select_n3A_224 = arith.select %and3A_220, %sub3A_223, %div3A_196 : vector<16xi1>, vector<16xi32>
    %jit3A_225 = arith.constant 26 : i32
    %eq3A_226 = arith.constant 0 : i32
    %eq3A_227 = arith.cmpi eq, %jit3A_225, %eq3A_226 : i32
    %jit3A_228 = arith.constant 1 : i32
    %select_n3A_229 = arith.select %eq3A_227, %jit3A_228, %jit3A_225 : i32
    %rem3A_230 = vector.broadcast %select_n3A_229 : i32 to vector<16xi32>
    %rem3A_231 = arith.remsi %add3A_193, %rem3A_230 : vector<16xi32>
    %ne3A_232 = arith.constant 0 : i32
    %ne3A_233 = vector.broadcast %ne3A_232 : i32 to vector<16xi32>
    %ne3A_234 = arith.cmpi ne, %rem3A_231, %ne3A_233 : vector<16xi32>
    %lt3A_235 = arith.constant 0 : i32
    %lt3A_236 = vector.broadcast %lt3A_235 : i32 to vector<16xi32>
    %lt3A_237 = arith.cmpi slt, %rem3A_231, %lt3A_236 : vector<16xi32>
    %lt3A_238 = arith.constant 0 : i32
    %lt3A_239 = arith.cmpi slt, %select_n3A_229, %lt3A_238 : i32
    %ne3A_240 = vector.broadcast %lt3A_239 : i1 to vector<16xi1>
    %ne3A_241 = vector.broadcast %ne3A_240 : vector<16xi1> to vector<16xi1>
    %ne3A_242 = arith.xori %lt3A_237, %ne3A_241 : vector<16xi1>
    %and3A_243 = arith.andi %ne3A_242, %ne3A_234 : vector<16xi1>
    %add3A_244 = vector.broadcast %select_n3A_229 : i32 to vector<16xi32>
    %add3A_245 = arith.addi %rem3A_231, %add3A_244 : vector<16xi32>
    %select_n3A_246 = arith.select %and3A_243, %add3A_245, %rem3A_231 : vector<16xi1>, vector<16xi32>
    %lt3A_247 = arith.constant 10 : i32
    %lt3A_248 = vector.broadcast %lt3A_247 : i32 to vector<16xi32>
    %lt3A_249 = arith.cmpi slt, %iota3A, %lt3A_248 : vector<16xi32>
    tpu.vector_store_idx %arg6[%select_n3A_224, %select_n3A_246, %get3A_190], %broadcast_in_dim3A_9 masked %lt3A_249 : memref<1x26x1000xf32, #tpu.memory_space<vmem>>[vector<16xi32>, vector<16xi32>, vector<16xi32>], vector<16xf32>, vector<16xi1>
    %add3A_250 = arith.constant 1 : i32
    %add3A_251 = arith.addi %mul3A_2, %add3A_250 : i32
    %dma_start3A_252 = arith.constant 0 : i32
    %dma_start3A_253 = arith.constant 0 : i32
    %dma_start3A_254 = tpu.memref_slice %arg3[%add3A_251, %dma_start3A_252, %dma_start3A_253] : memref<4096x26x1000xf32, #tpu.memory_space<hbm>> -> memref<1x26x1000xf32, #tpu.memory_space<hbm>>
    %dma_start3A_255 = arith.constant 0 : i32
    %dma_start3A_256 = arith.constant 0 : i32
    %dma_start3A_257 = tpu.memref_slice %arg3[%add3A_251, %dma_start3A_255, %dma_start3A_256] : memref<4096x26x1000xf32, #tpu.memory_space<hbm>> -> memref<1x26x1000xf32, #tpu.memory_space<hbm>>
    tpu.enqueue_dma source(%arg6 : memref<1x26x1000xf32, #tpu.memory_space<vmem>>) target(%dma_start3A_257 : memref<1x26x1000xf32, #tpu.memory_space<hbm>>) target_semaphore(%arg8 : memref<!tpu.dma_semaphore, #tpu.memory_space<semaphore_mem>>)
    %scan3A_258 = arith.constant 0 : i32
    %scan3A_259 = arith.constant 1 : i32
    %scan3A_260 = arith.constant 63 : i32
    %scan3A_261 = arith.addi %scan3A_259, %scan3A_260 : i32
    %scan3A_262 = arith.constant 1 : i32
    %scan3A_263 = scf.for %scan3A_280 = %scan3A_259 to %scan3A_261 step %scan3A_262 iter_args(%scan3A_281 = %scan3A_258) -> (i32)  : i32 {
      %mul3A_282 = arith.constant 2 : i32
      %mul3A_283 = arith.muli %scan3A_280, %mul3A_282 : i32
      %add3A_284 = arith.constant 0 : i32
      %add3A_285 = arith.addi %mul3A_283, %add3A_284 : i32
      %sub3A_286 = arith.constant 2 : i32
      %sub3A_287 = arith.subi %add3A_285, %sub3A_286 : i32
      %mul3A_288 = arith.constant 1 : i32
      %mul3A_289 = arith.muli %sub3A_287, %mul3A_288 : i32
      %add3A_290 = arith.addi %mul3A_2, %mul3A_289 : i32
      %dma_wait3A_291 = arith.constant 0 : i32
      %dma_wait3A_292 = arith.constant 0 : i32
      %dma_wait3A_293 = tpu.memref_slice %arg3[%add3A_290, %dma_wait3A_291, %dma_wait3A_292] : memref<4096x26x1000xf32, #tpu.memory_space<hbm>> -> memref<1x26x1000xf32, #tpu.memory_space<hbm>>
      %dma_wait3A_294 = arith.constant 0 : i32
      %dma_wait3A_295 = arith.constant 0 : i32
      %dma_wait3A_296 = tpu.memref_slice %arg3[%add3A_290, %dma_wait3A_294, %dma_wait3A_295] : memref<4096x26x1000xf32, #tpu.memory_space<hbm>> -> memref<1x26x1000xf32, #tpu.memory_space<hbm>>
      tpu.wait_dma2 semaphore(%arg7 : memref<!tpu.dma_semaphore, #tpu.memory_space<semaphore_mem>>) src(%arg5 : memref<1x26x1000xf32, #tpu.memory_space<vmem>>) dst(%dma_wait3A_296 : memref<1x26x1000xf32, #tpu.memory_space<hbm>>)
      %sub3A_297 = arith.constant 2 : i32
      %sub3A_298 = arith.subi %add3A_285, %sub3A_297 : i32
      %mul3A_299 = arith.constant 26 : i32
      %mul3A_300 = arith.muli %sub3A_298, %mul3A_299 : i32
      %add3A_301 = arith.constant 0 : i32
      %add3A_302 = arith.addi %mul3A_300, %add3A_301 : i32
      %get3A_303 = arith.index_cast %add3A_302 : i32 to index
      %get3A_304 = tpu.vector_load %arg4[%get3A_303] {strides = array<i32>} : memref<3328xi32, #tpu.memory_space<vmem>>, vector<16xi32>,
      %add3A_305 = arith.constant 0 : i32
      %add3A_306 = vector.broadcast %add3A_305 : i32 to vector<16xi32>
      %add3A_307 = arith.addi %add3A_306, %iota3A : vector<16xi32>
      %jit3A_308 = arith.constant 26 : i32
      %div3A_309 = vector.broadcast %jit3A_308 : i32 to vector<16xi32>
      %div3A_310 = arith.divsi %add3A_307, %div3A_309 : vector<16xi32>
      %sign3A_311 = arith.constant 0 : i32
      %sign3A_312 = vector.broadcast %sign3A_311 : i32 to vector<16xi32>
      %sign3A_313 = arith.cmpi sgt, %add3A_307, %sign3A_312 : vector<16xi32>
      %sign3A_314 = arith.extui %sign3A_313 : vector<16xi1> to vector<16xi32>
      %sign3A_315 = arith.constant 0 : i32
      %sign3A_316 = vector.broadcast %sign3A_315 : i32 to vector<16xi32>
      %sign3A_317 = arith.cmpi slt, %add3A_307, %sign3A_316 : vector<16xi32>
      %sign3A_318 = arith.extui %sign3A_317 : vector<16xi1> to vector<16xi32>
      %sign3A_319 = arith.subi %sign3A_314, %sign3A_318 : vector<16xi32>
      %sign3A_320 = arith.constant 0 : i32
      %sign3A_321 = arith.cmpi sgt, %jit3A_308, %sign3A_320 : i32
      %sign3A_322 = arith.extui %sign3A_321 : i1 to i32
      %sign3A_323 = arith.constant 0 : i32
      %sign3A_324 = arith.cmpi slt, %jit3A_308, %sign3A_323 : i32
      %sign3A_325 = arith.extui %sign3A_324 : i1 to i32
      %sign3A_326 = arith.subi %sign3A_322, %sign3A_325 : i32
      %ne3A_327 = vector.broadcast %sign3A_326 : i32 to vector<16xi32>
      %ne3A_328 = arith.cmpi ne, %sign3A_319, %ne3A_327 : vector<16xi32>
      %rem3A_329 = vector.broadcast %jit3A_308 : i32 to vector<16xi32>
      %rem3A_330 = arith.remsi %add3A_307, %rem3A_329 : vector<16xi32>
      %ne3A_331 = arith.constant 0 : i32
      %ne3A_332 = vector.broadcast %ne3A_331 : i32 to vector<16xi32>
      %ne3A_333 = arith.cmpi ne, %rem3A_330, %ne3A_332 : vector<16xi32>
      %and3A_334 = arith.andi %ne3A_328, %ne3A_333 : vector<16xi1>
      %sub3A_335 = arith.constant 1 : i32
      %sub3A_336 = vector.broadcast %sub3A_335 : i32 to vector<16xi32>
      %sub3A_337 = arith.subi %div3A_310, %sub3A_336 : vector<16xi32>
      %select_n3A_338 = arith.select %and3A_334, %sub3A_337, %div3A_310 : vector<16xi1>, vector<16xi32>
      %jit3A_339 = arith.constant 26 : i32
      %eq3A_340 = arith.constant 0 : i32
      %eq3A_341 = arith.cmpi eq, %jit3A_339, %eq3A_340 : i32
      %jit3A_342 = arith.constant 1 : i32
      %select_n3A_343 = arith.select %eq3A_341, %jit3A_342, %jit3A_339 : i32
      %rem3A_344 = vector.broadcast %select_n3A_343 : i32 to vector<16xi32>
      %rem3A_345 = arith.remsi %add3A_307, %rem3A_344 : vector<16xi32>
      %ne3A_346 = arith.constant 0 : i32
      %ne3A_347 = vector.broadcast %ne3A_346 : i32 to vector<16xi32>
      %ne3A_348 = arith.cmpi ne, %rem3A_345, %ne3A_347 : vector<16xi32>
      %lt3A_349 = arith.constant 0 : i32
      %lt3A_350 = vector.broadcast %lt3A_349 : i32 to vector<16xi32>
      %lt3A_351 = arith.cmpi slt, %rem3A_345, %lt3A_350 : vector<16xi32>
      %lt3A_352 = arith.constant 0 : i32
      %lt3A_353 = arith.cmpi slt, %select_n3A_343, %lt3A_352 : i32
      %ne3A_354 = vector.broadcast %lt3A_353 : i1 to vector<16xi1>
      %ne3A_355 = vector.broadcast %ne3A_354 : vector<16xi1> to vector<16xi1>
      %ne3A_356 = arith.xori %lt3A_351, %ne3A_355 : vector<16xi1>
      %and3A_357 = arith.andi %ne3A_356, %ne3A_348 : vector<16xi1>
      %add3A_358 = vector.broadcast %select_n3A_343 : i32 to vector<16xi32>
      %add3A_359 = arith.addi %rem3A_345, %add3A_358 : vector<16xi32>
      %select_n3A_360 = arith.select %and3A_357, %add3A_359, %rem3A_345 : vector<16xi1>, vector<16xi32>
      tpu.vector_store_idx %arg5[%select_n3A_338, %select_n3A_360, %get3A_304], %broadcast_in_dim3A_7 : memref<1x26x1000xf32, #tpu.memory_space<vmem>>[vector<16xi32>, vector<16xi32>, vector<16xi32>], vector<16xf32>,
      %mul3A_361 = arith.constant 26 : i32
      %mul3A_362 = arith.muli %sub3A_298, %mul3A_361 : i32
      %add3A_363 = arith.constant 16 : i32
      %add3A_364 = arith.addi %mul3A_362, %add3A_363 : i32
      %get3A_365 = arith.index_cast %add3A_364 : i32 to index
      %get3A_366 = tpu.vector_load %arg4[%get3A_365] {strides = array<i32>} : memref<3328xi32, #tpu.memory_space<vmem>>, vector<16xi32>,
      %add3A_367 = arith.constant 16 : i32
      %add3A_368 = vector.broadcast %add3A_367 : i32 to vector<16xi32>
      %add3A_369 = arith.addi %add3A_368, %iota3A : vector<16xi32>
      %jit3A_370 = arith.constant 26 : i32
      %div3A_371 = vector.broadcast %jit3A_370 : i32 to vector<16xi32>
      %div3A_372 = arith.divsi %add3A_369, %div3A_371 : vector<16xi32>
      %sign3A_373 = arith.constant 0 : i32
      %sign3A_374 = vector.broadcast %sign3A_373 : i32 to vector<16xi32>
      %sign3A_375 = arith.cmpi sgt, %add3A_369, %sign3A_374 : vector<16xi32>
      %sign3A_376 = arith.extui %sign3A_375 : vector<16xi1> to vector<16xi32>
      %sign3A_377 = arith.constant 0 : i32
      %sign3A_378 = vector.broadcast %sign3A_377 : i32 to vector<16xi32>
      %sign3A_379 = arith.cmpi slt, %add3A_369, %sign3A_378 : vector<16xi32>
      %sign3A_380 = arith.extui %sign3A_379 : vector<16xi1> to vector<16xi32>
      %sign3A_381 = arith.subi %sign3A_376, %sign3A_380 : vector<16xi32>
      %sign3A_382 = arith.constant 0 : i32
      %sign3A_383 = arith.cmpi sgt, %jit3A_370, %sign3A_382 : i32
      %sign3A_384 = arith.extui %sign3A_383 : i1 to i32
      %sign3A_385 = arith.constant 0 : i32
      %sign3A_386 = arith.cmpi slt, %jit3A_370, %sign3A_385 : i32
      %sign3A_387 = arith.extui %sign3A_386 : i1 to i32
      %sign3A_388 = arith.subi %sign3A_384, %sign3A_387 : i32
      %ne3A_389 = vector.broadcast %sign3A_388 : i32 to vector<16xi32>
      %ne3A_390 = arith.cmpi ne, %sign3A_381, %ne3A_389 : vector<16xi32>
      %rem3A_391 = vector.broadcast %jit3A_370 : i32 to vector<16xi32>
      %rem3A_392 = arith.remsi %add3A_369, %rem3A_391 : vector<16xi32>
      %ne3A_393 = arith.constant 0 : i32
      %ne3A_394 = vector.broadcast %ne3A_393 : i32 to vector<16xi32>
      %ne3A_395 = arith.cmpi ne, %rem3A_392, %ne3A_394 : vector<16xi32>
      %and3A_396 = arith.andi %ne3A_390, %ne3A_395 : vector<16xi1>
      %sub3A_397 = arith.constant 1 : i32
      %sub3A_398 = vector.broadcast %sub3A_397 : i32 to vector<16xi32>
      %sub3A_399 = arith.subi %div3A_372, %sub3A_398 : vector<16xi32>
      %select_n3A_400 = arith.select %and3A_396, %sub3A_399, %div3A_372 : vector<16xi1>, vector<16xi32>
      %jit3A_401 = arith.constant 26 : i32
      %eq3A_402 = arith.constant 0 : i32
      %eq3A_403 = arith.cmpi eq, %jit3A_401, %eq3A_402 : i32
      %jit3A_404 = arith.constant 1 : i32
      %select_n3A_405 = arith.select %eq3A_403, %jit3A_404, %jit3A_401 : i32
      %rem3A_406 = vector.broadcast %select_n3A_405 : i32 to vector<16xi32>
      %rem3A_407 = arith.remsi %add3A_369, %rem3A_406 : vector<16xi32>
      %ne3A_408 = arith.constant 0 : i32
      %ne3A_409 = vector.broadcast %ne3A_408 : i32 to vector<16xi32>
      %ne3A_410 = arith.cmpi ne, %rem3A_407, %ne3A_409 : vector<16xi32>
      %lt3A_411 = arith.constant 0 : i32
      %lt3A_412 = vector.broadcast %lt3A_411 : i32 to vector<16xi32>
      %lt3A_413 = arith.cmpi slt, %rem3A_407, %lt3A_412 : vector<16xi32>
      %lt3A_414 = arith.constant 0 : i32
      %lt3A_415 = arith.cmpi slt, %select_n3A_405, %lt3A_414 : i32
      %ne3A_416 = vector.broadcast %lt3A_415 : i1 to vector<16xi1>
      %ne3A_417 = vector.broadcast %ne3A_416 : vector<16xi1> to vector<16xi1>
      %ne3A_418 = arith.xori %lt3A_413, %ne3A_417 : vector<16xi1>
      %and3A_419 = arith.andi %ne3A_418, %ne3A_410 : vector<16xi1>
      %add3A_420 = vector.broadcast %select_n3A_405 : i32 to vector<16xi32>
      %add3A_421 = arith.addi %rem3A_407, %add3A_420 : vector<16xi32>
      %select_n3A_422 = arith.select %and3A_419, %add3A_421, %rem3A_407 : vector<16xi1>, vector<16xi32>
      %lt3A_423 = arith.constant 10 : i32
      %lt3A_424 = vector.broadcast %lt3A_423 : i32 to vector<16xi32>
      %lt3A_425 = arith.cmpi slt, %iota3A, %lt3A_424 : vector<16xi32>
      tpu.vector_store_idx %arg5[%select_n3A_400, %select_n3A_422, %get3A_366], %broadcast_in_dim3A_7 masked %lt3A_425 : memref<1x26x1000xf32, #tpu.memory_space<vmem>>[vector<16xi32>, vector<16xi32>, vector<16xi32>], vector<16xf32>, vector<16xi1>
      %mul3A_426 = arith.constant 26 : i32
      %mul3A_427 = arith.muli %add3A_285, %mul3A_426 : i32
      %add3A_428 = arith.constant 0 : i32
      %add3A_429 = arith.addi %mul3A_427, %add3A_428 : i32
      %get3A_430 = arith.index_cast %add3A_429 : i32 to index
      %get3A_431 = tpu.vector_load %arg4[%get3A_430] {strides = array<i32>} : memref<3328xi32, #tpu.memory_space<vmem>>, vector<16xi32>,
      %add3A_432 = arith.constant 0 : i32
      %add3A_433 = vector.broadcast %add3A_432 : i32 to vector<16xi32>
      %add3A_434 = arith.addi %add3A_433, %iota3A : vector<16xi32>
      %jit3A_435 = arith.constant 26 : i32
      %div3A_436 = vector.broadcast %jit3A_435 : i32 to vector<16xi32>
      %div3A_437 = arith.divsi %add3A_434, %div3A_436 : vector<16xi32>
      %sign3A_438 = arith.constant 0 : i32
      %sign3A_439 = vector.broadcast %sign3A_438 : i32 to vector<16xi32>
      %sign3A_440 = arith.cmpi sgt, %add3A_434, %sign3A_439 : vector<16xi32>
      %sign3A_441 = arith.extui %sign3A_440 : vector<16xi1> to vector<16xi32>
      %sign3A_442 = arith.constant 0 : i32
      %sign3A_443 = vector.broadcast %sign3A_442 : i32 to vector<16xi32>
      %sign3A_444 = arith.cmpi slt, %add3A_434, %sign3A_443 : vector<16xi32>
      %sign3A_445 = arith.extui %sign3A_444 : vector<16xi1> to vector<16xi32>
      %sign3A_446 = arith.subi %sign3A_441, %sign3A_445 : vector<16xi32>
      %sign3A_447 = arith.constant 0 : i32
      %sign3A_448 = arith.cmpi sgt, %jit3A_435, %sign3A_447 : i32
      %sign3A_449 = arith.extui %sign3A_448 : i1 to i32
      %sign3A_450 = arith.constant 0 : i32
      %sign3A_451 = arith.cmpi slt, %jit3A_435, %sign3A_450 : i32
      %sign3A_452 = arith.extui %sign3A_451 : i1 to i32
      %sign3A_453 = arith.subi %sign3A_449, %sign3A_452 : i32
      %ne3A_454 = vector.broadcast %sign3A_453 : i32 to vector<16xi32>
      %ne3A_455 = arith.cmpi ne, %sign3A_446, %ne3A_454 : vector<16xi32>
      %rem3A_456 = vector.broadcast %jit3A_435 : i32 to vector<16xi32>
      %rem3A_457 = arith.remsi %add3A_434, %rem3A_456 : vector<16xi32>
      %ne3A_458 = arith.constant 0 : i32
      %ne3A_459 = vector.broadcast %ne3A_458 : i32 to vector<16xi32>
      %ne3A_460 = arith.cmpi ne, %rem3A_457, %ne3A_459 : vector<16xi32>
      %and3A_461 = arith.andi %ne3A_455, %ne3A_460 : vector<16xi1>
      %sub3A_462 = arith.constant 1 : i32
      %sub3A_463 = vector.broadcast %sub3A_462 : i32 to vector<16xi32>
      %sub3A_464 = arith.subi %div3A_437, %sub3A_463 : vector<16xi32>
      %select_n3A_465 = arith.select %and3A_461, %sub3A_464, %div3A_437 : vector<16xi1>, vector<16xi32>
      %jit3A_466 = arith.constant 26 : i32
      %eq3A_467 = arith.constant 0 : i32
      %eq3A_468 = arith.cmpi eq, %jit3A_466, %eq3A_467 : i32
      %jit3A_469 = arith.constant 1 : i32
      %select_n3A_470 = arith.select %eq3A_468, %jit3A_469, %jit3A_466 : i32
      %rem3A_471 = vector.broadcast %select_n3A_470 : i32 to vector<16xi32>
      %rem3A_472 = arith.remsi %add3A_434, %rem3A_471 : vector<16xi32>
      %ne3A_473 = arith.constant 0 : i32
      %ne3A_474 = vector.broadcast %ne3A_473 : i32 to vector<16xi32>
      %ne3A_475 = arith.cmpi ne, %rem3A_472, %ne3A_474 : vector<16xi32>
      %lt3A_476 = arith.constant 0 : i32
      %lt3A_477 = vector.broadcast %lt3A_476 : i32 to vector<16xi32>
      %lt3A_478 = arith.cmpi slt, %rem3A_472, %lt3A_477 : vector<16xi32>
      %lt3A_479 = arith.constant 0 : i32
      %lt3A_480 = arith.cmpi slt, %select_n3A_470, %lt3A_479 : i32
      %ne3A_481 = vector.broadcast %lt3A_480 : i1 to vector<16xi1>
      %ne3A_482 = vector.broadcast %ne3A_481 : vector<16xi1> to vector<16xi1>
      %ne3A_483 = arith.xori %lt3A_478, %ne3A_482 : vector<16xi1>
      %and3A_484 = arith.andi %ne3A_483, %ne3A_475 : vector<16xi1>
      %add3A_485 = vector.broadcast %select_n3A_470 : i32 to vector<16xi32>
      %add3A_486 = arith.addi %rem3A_472, %add3A_485 : vector<16xi32>
      %select_n3A_487 = arith.select %and3A_484, %add3A_486, %rem3A_472 : vector<16xi1>, vector<16xi32>
      tpu.vector_store_idx %arg5[%select_n3A_465, %select_n3A_487, %get3A_431], %broadcast_in_dim3A_9 : memref<1x26x1000xf32, #tpu.memory_space<vmem>>[vector<16xi32>, vector<16xi32>, vector<16xi32>], vector<16xf32>,
      %mul3A_488 = arith.constant 26 : i32
      %mul3A_489 = arith.muli %add3A_285, %mul3A_488 : i32
      %add3A_490 = arith.constant 16 : i32
      %add3A_491 = arith.addi %mul3A_489, %add3A_490 : i32
      %get3A_492 = arith.index_cast %add3A_491 : i32 to index
      %get3A_493 = tpu.vector_load %arg4[%get3A_492] {strides = array<i32>} : memref<3328xi32, #tpu.memory_space<vmem>>, vector<16xi32>,
      %add3A_494 = arith.constant 16 : i32
      %add3A_495 = vector.broadcast %add3A_494 : i32 to vector<16xi32>
      %add3A_496 = arith.addi %add3A_495, %iota3A : vector<16xi32>
      %jit3A_497 = arith.constant 26 : i32
      %div3A_498 = vector.broadcast %jit3A_497 : i32 to vector<16xi32>
      %div3A_499 = arith.divsi %add3A_496, %div3A_498 : vector<16xi32>
      %sign3A_500 = arith.constant 0 : i32
      %sign3A_501 = vector.broadcast %sign3A_500 : i32 to vector<16xi32>
      %sign3A_502 = arith.cmpi sgt, %add3A_496, %sign3A_501 : vector<16xi32>
      %sign3A_503 = arith.extui %sign3A_502 : vector<16xi1> to vector<16xi32>
      %sign3A_504 = arith.constant 0 : i32
      %sign3A_505 = vector.broadcast %sign3A_504 : i32 to vector<16xi32>
      %sign3A_506 = arith.cmpi slt, %add3A_496, %sign3A_505 : vector<16xi32>
      %sign3A_507 = arith.extui %sign3A_506 : vector<16xi1> to vector<16xi32>
      %sign3A_508 = arith.subi %sign3A_503, %sign3A_507 : vector<16xi32>
      %sign3A_509 = arith.constant 0 : i32
      %sign3A_510 = arith.cmpi sgt, %jit3A_497, %sign3A_509 : i32
      %sign3A_511 = arith.extui %sign3A_510 : i1 to i32
      %sign3A_512 = arith.constant 0 : i32
      %sign3A_513 = arith.cmpi slt, %jit3A_497, %sign3A_512 : i32
      %sign3A_514 = arith.extui %sign3A_513 : i1 to i32
      %sign3A_515 = arith.subi %sign3A_511, %sign3A_514 : i32
      %ne3A_516 = vector.broadcast %sign3A_515 : i32 to vector<16xi32>
      %ne3A_517 = arith.cmpi ne, %sign3A_508, %ne3A_516 : vector<16xi32>
      %rem3A_518 = vector.broadcast %jit3A_497 : i32 to vector<16xi32>
      %rem3A_519 = arith.remsi %add3A_496, %rem3A_518 : vector<16xi32>
      %ne3A_520 = arith.constant 0 : i32
      %ne3A_521 = vector.broadcast %ne3A_520 : i32 to vector<16xi32>
      %ne3A_522 = arith.cmpi ne, %rem3A_519, %ne3A_521 : vector<16xi32>
      %and3A_523 = arith.andi %ne3A_517, %ne3A_522 : vector<16xi1>
      %sub3A_524 = arith.constant 1 : i32
      %sub3A_525 = vector.broadcast %sub3A_524 : i32 to vector<16xi32>
      %sub3A_526 = arith.subi %div3A_499, %sub3A_525 : vector<16xi32>
      %select_n3A_527 = arith.select %and3A_523, %sub3A_526, %div3A_499 : vector<16xi1>, vector<16xi32>
      %jit3A_528 = arith.constant 26 : i32
      %eq3A_529 = arith.constant 0 : i32
      %eq3A_530 = arith.cmpi eq, %jit3A_528, %eq3A_529 : i32
      %jit3A_531 = arith.constant 1 : i32
      %select_n3A_532 = arith.select %eq3A_530, %jit3A_531, %jit3A_528 : i32
      %rem3A_533 = vector.broadcast %select_n3A_532 : i32 to vector<16xi32>
      %rem3A_534 = arith.remsi %add3A_496, %rem3A_533 : vector<16xi32>
      %ne3A_535 = arith.constant 0 : i32
      %ne3A_536 = vector.broadcast %ne3A_535 : i32 to vector<16xi32>
      %ne3A_537 = arith.cmpi ne, %rem3A_534, %ne3A_536 : vector<16xi32>
      %lt3A_538 = arith.constant 0 : i32
      %lt3A_539 = vector.broadcast %lt3A_538 : i32 to vector<16xi32>
      %lt3A_540 = arith.cmpi slt, %rem3A_534, %lt3A_539 : vector<16xi32>
      %lt3A_541 = arith.constant 0 : i32
      %lt3A_542 = arith.cmpi slt, %select_n3A_532, %lt3A_541 : i32
      %ne3A_543 = vector.broadcast %lt3A_542 : i1 to vector<16xi1>
      %ne3A_544 = vector.broadcast %ne3A_543 : vector<16xi1> to vector<16xi1>
      %ne3A_545 = arith.xori %lt3A_540, %ne3A_544 : vector<16xi1>
      %and3A_546 = arith.andi %ne3A_545, %ne3A_537 : vector<16xi1>
      %add3A_547 = vector.broadcast %select_n3A_532 : i32 to vector<16xi32>
      %add3A_548 = arith.addi %rem3A_534, %add3A_547 : vector<16xi32>
      %select_n3A_549 = arith.select %and3A_546, %add3A_548, %rem3A_534 : vector<16xi1>, vector<16xi32>
      %lt3A_550 = arith.constant 10 : i32
      %lt3A_551 = vector.broadcast %lt3A_550 : i32 to vector<16xi32>
      %lt3A_552 = arith.cmpi slt, %iota3A, %lt3A_551 : vector<16xi32>
      tpu.vector_store_idx %arg5[%select_n3A_527, %select_n3A_549, %get3A_493], %broadcast_in_dim3A_9 masked %lt3A_552 : memref<1x26x1000xf32, #tpu.memory_space<vmem>>[vector<16xi32>, vector<16xi32>, vector<16xi32>], vector<16xf32>, vector<16xi1>
      %mul3A_553 = arith.constant 1 : i32
      %mul3A_554 = arith.muli %add3A_285, %mul3A_553 : i32
      %add3A_555 = arith.addi %mul3A_2, %mul3A_554 : i32
      %dma_start3A_556 = arith.constant 0 : i32
      %dma_start3A_557 = arith.constant 0 : i32
      %dma_start3A_558 = tpu.memref_slice %arg3[%add3A_555, %dma_start3A_556, %dma_start3A_557] : memref<4096x26x1000xf32, #tpu.memory_space<hbm>> -> memref<1x26x1000xf32, #tpu.memory_space<hbm>>
      %dma_start3A_559 = arith.constant 0 : i32
      %dma_start3A_560 = arith.constant 0 : i32
      %dma_start3A_561 = tpu.memref_slice %arg3[%add3A_555, %dma_start3A_559, %dma_start3A_560] : memref<4096x26x1000xf32, #tpu.memory_space<hbm>> -> memref<1x26x1000xf32, #tpu.memory_space<hbm>>
      tpu.enqueue_dma source(%arg5 : memref<1x26x1000xf32, #tpu.memory_space<vmem>>) target(%dma_start3A_561 : memref<1x26x1000xf32, #tpu.memory_space<hbm>>) target_semaphore(%arg7 : memref<!tpu.dma_semaphore, #tpu.memory_space<semaphore_mem>>)
      %mul3A_562 = arith.constant 2 : i32
      %mul3A_563 = arith.muli %scan3A_280, %mul3A_562 : i32
      %add3A_564 = arith.constant 1 : i32
      %add3A_565 = arith.addi %mul3A_563, %add3A_564 : i32
      %sub3A_566 = arith.constant 2 : i32
      %sub3A_567 = arith.subi %add3A_565, %sub3A_566 : i32
      %mul3A_568 = arith.constant 1 : i32
      %mul3A_569 = arith.muli %sub3A_567, %mul3A_568 : i32
      %add3A_570 = arith.addi %mul3A_2, %mul3A_569 : i32
      %dma_wait3A_571 = arith.constant 0 : i32
      %dma_wait3A_572 = arith.constant 0 : i32
      %dma_wait3A_573 = tpu.memref_slice %arg3[%add3A_570, %dma_wait3A_571, %dma_wait3A_572] : memref<4096x26x1000xf32, #tpu.memory_space<hbm>> -> memref<1x26x1000xf32, #tpu.memory_space<hbm>>
      %dma_wait3A_574 = arith.constant 0 : i32
      %dma_wait3A_575 = arith.constant 0 : i32
      %dma_wait3A_576 = tpu.memref_slice %arg3[%add3A_570, %dma_wait3A_574, %dma_wait3A_575] : memref<4096x26x1000xf32, #tpu.memory_space<hbm>> -> memref<1x26x1000xf32, #tpu.memory_space<hbm>>
      tpu.wait_dma2 semaphore(%arg8 : memref<!tpu.dma_semaphore, #tpu.memory_space<semaphore_mem>>) src(%arg6 : memref<1x26x1000xf32, #tpu.memory_space<vmem>>) dst(%dma_wait3A_576 : memref<1x26x1000xf32, #tpu.memory_space<hbm>>)
      %sub3A_577 = arith.constant 2 : i32
      %sub3A_578 = arith.subi %add3A_565, %sub3A_577 : i32
      %mul3A_579 = arith.constant 26 : i32
      %mul3A_580 = arith.muli %sub3A_578, %mul3A_579 : i32
      %add3A_581 = arith.constant 0 : i32
      %add3A_582 = arith.addi %mul3A_580, %add3A_581 : i32
      %get3A_583 = arith.index_cast %add3A_582 : i32 to index
      %get3A_584 = tpu.vector_load %arg4[%get3A_583] {strides = array<i32>} : memref<3328xi32, #tpu.memory_space<vmem>>, vector<16xi32>,
      %add3A_585 = arith.constant 0 : i32
      %add3A_586 = vector.broadcast %add3A_585 : i32 to vector<16xi32>
      %add3A_587 = arith.addi %add3A_586, %iota3A : vector<16xi32>
      %jit3A_588 = arith.constant 26 : i32
      %div3A_589 = vector.broadcast %jit3A_588 : i32 to vector<16xi32>
      %div3A_590 = arith.divsi %add3A_587, %div3A_589 : vector<16xi32>
      %sign3A_591 = arith.constant 0 : i32
      %sign3A_592 = vector.broadcast %sign3A_591 : i32 to vector<16xi32>
      %sign3A_593 = arith.cmpi sgt, %add3A_587, %sign3A_592 : vector<16xi32>
      %sign3A_594 = arith.extui %sign3A_593 : vector<16xi1> to vector<16xi32>
      %sign3A_595 = arith.constant 0 : i32
      %sign3A_596 = vector.broadcast %sign3A_595 : i32 to vector<16xi32>
      %sign3A_597 = arith.cmpi slt, %add3A_587, %sign3A_596 : vector<16xi32>
      %sign3A_598 = arith.extui %sign3A_597 : vector<16xi1> to vector<16xi32>
      %sign3A_599 = arith.subi %sign3A_594, %sign3A_598 : vector<16xi32>
      %sign3A_600 = arith.constant 0 : i32
      %sign3A_601 = arith.cmpi sgt, %jit3A_588, %sign3A_600 : i32
      %sign3A_602 = arith.extui %sign3A_601 : i1 to i32
      %sign3A_603 = arith.constant 0 : i32
      %sign3A_604 = arith.cmpi slt, %jit3A_588, %sign3A_603 : i32
      %sign3A_605 = arith.extui %sign3A_604 : i1 to i32
      %sign3A_606 = arith.subi %sign3A_602, %sign3A_605 : i32
      %ne3A_607 = vector.broadcast %sign3A_606 : i32 to vector<16xi32>
      %ne3A_608 = arith.cmpi ne, %sign3A_599, %ne3A_607 : vector<16xi32>
      %rem3A_609 = vector.broadcast %jit3A_588 : i32 to vector<16xi32>
      %rem3A_610 = arith.remsi %add3A_587, %rem3A_609 : vector<16xi32>
      %ne3A_611 = arith.constant 0 : i32
      %ne3A_612 = vector.broadcast %ne3A_611 : i32 to vector<16xi32>
      %ne3A_613 = arith.cmpi ne, %rem3A_610, %ne3A_612 : vector<16xi32>
      %and3A_614 = arith.andi %ne3A_608, %ne3A_613 : vector<16xi1>
      %sub3A_615 = arith.constant 1 : i32
      %sub3A_616 = vector.broadcast %sub3A_615 : i32 to vector<16xi32>
      %sub3A_617 = arith.subi %div3A_590, %sub3A_616 : vector<16xi32>
      %select_n3A_618 = arith.select %and3A_614, %sub3A_617, %div3A_590 : vector<16xi1>, vector<16xi32>
      %jit3A_619 = arith.constant 26 : i32
      %eq3A_620 = arith.constant 0 : i32
      %eq3A_621 = arith.cmpi eq, %jit3A_619, %eq3A_620 : i32
      %jit3A_622 = arith.constant 1 : i32
      %select_n3A_623 = arith.select %eq3A_621, %jit3A_622, %jit3A_619 : i32
      %rem3A_624 = vector.broadcast %select_n3A_623 : i32 to vector<16xi32>
      %rem3A_625 = arith.remsi %add3A_587, %rem3A_624 : vector<16xi32>
      %ne3A_626 = arith.constant 0 : i32
      %ne3A_627 = vector.broadcast %ne3A_626 : i32 to vector<16xi32>
      %ne3A_628 = arith.cmpi ne, %rem3A_625, %ne3A_627 : vector<16xi32>
      %lt3A_629 = arith.constant 0 : i32
      %lt3A_630 = vector.broadcast %lt3A_629 : i32 to vector<16xi32>
      %lt3A_631 = arith.cmpi slt, %rem3A_625, %lt3A_630 : vector<16xi32>
      %lt3A_632 = arith.constant 0 : i32
      %lt3A_633 = arith.cmpi slt, %select_n3A_623, %lt3A_632 : i32
      %ne3A_634 = vector.broadcast %lt3A_633 : i1 to vector<16xi1>
      %ne3A_635 = vector.broadcast %ne3A_634 : vector<16xi1> to vector<16xi1>
      %ne3A_636 = arith.xori %lt3A_631, %ne3A_635 : vector<16xi1>
      %and3A_637 = arith.andi %ne3A_636, %ne3A_628 : vector<16xi1>
      %add3A_638 = vector.broadcast %select_n3A_623 : i32 to vector<16xi32>
      %add3A_639 = arith.addi %rem3A_625, %add3A_638 : vector<16xi32>
      %select_n3A_640 = arith.select %and3A_637, %add3A_639, %rem3A_625 : vector<16xi1>, vector<16xi32>
      tpu.vector_store_idx %arg6[%select_n3A_618, %select_n3A_640, %get3A_584], %broadcast_in_dim3A_7 : memref<1x26x1000xf32, #tpu.memory_space<vmem>>[vector<16xi32>, vector<16xi32>, vector<16xi32>], vector<16xf32>,
      %mul3A_641 = arith.constant 26 : i32
      %mul3A_642 = arith.muli %sub3A_578, %mul3A_641 : i32
      %add3A_643 = arith.constant 16 : i32
      %add3A_644 = arith.addi %mul3A_642, %add3A_643 : i32
      %get3A_645 = arith.index_cast %add3A_644 : i32 to index
      %get3A_646 = tpu.vector_load %arg4[%get3A_645] {strides = array<i32>} : memref<3328xi32, #tpu.memory_space<vmem>>, vector<16xi32>,
      %add3A_647 = arith.constant 16 : i32
      %add3A_648 = vector.broadcast %add3A_647 : i32 to vector<16xi32>
      %add3A_649 = arith.addi %add3A_648, %iota3A : vector<16xi32>
      %jit3A_650 = arith.constant 26 : i32
      %div3A_651 = vector.broadcast %jit3A_650 : i32 to vector<16xi32>
      %div3A_652 = arith.divsi %add3A_649, %div3A_651 : vector<16xi32>
      %sign3A_653 = arith.constant 0 : i32
      %sign3A_654 = vector.broadcast %sign3A_653 : i32 to vector<16xi32>
      %sign3A_655 = arith.cmpi sgt, %add3A_649, %sign3A_654 : vector<16xi32>
      %sign3A_656 = arith.extui %sign3A_655 : vector<16xi1> to vector<16xi32>
      %sign3A_657 = arith.constant 0 : i32
      %sign3A_658 = vector.broadcast %sign3A_657 : i32 to vector<16xi32>
      %sign3A_659 = arith.cmpi slt, %add3A_649, %sign3A_658 : vector<16xi32>
      %sign3A_660 = arith.extui %sign3A_659 : vector<16xi1> to vector<16xi32>
      %sign3A_661 = arith.subi %sign3A_656, %sign3A_660 : vector<16xi32>
      %sign3A_662 = arith.constant 0 : i32
      %sign3A_663 = arith.cmpi sgt, %jit3A_650, %sign3A_662 : i32
      %sign3A_664 = arith.extui %sign3A_663 : i1 to i32
      %sign3A_665 = arith.constant 0 : i32
      %sign3A_666 = arith.cmpi slt, %jit3A_650, %sign3A_665 : i32
      %sign3A_667 = arith.extui %sign3A_666 : i1 to i32
      %sign3A_668 = arith.subi %sign3A_664, %sign3A_667 : i32
      %ne3A_669 = vector.broadcast %sign3A_668 : i32 to vector<16xi32>
      %ne3A_670 = arith.cmpi ne, %sign3A_661, %ne3A_669 : vector<16xi32>
      %rem3A_671 = vector.broadcast %jit3A_650 : i32 to vector<16xi32>
      %rem3A_672 = arith.remsi %add3A_649, %rem3A_671 : vector<16xi32>
      %ne3A_673 = arith.constant 0 : i32
      %ne3A_674 = vector.broadcast %ne3A_673 : i32 to vector<16xi32>
      %ne3A_675 = arith.cmpi ne, %rem3A_672, %ne3A_674 : vector<16xi32>
      %and3A_676 = arith.andi %ne3A_670, %ne3A_675 : vector<16xi1>
      %sub3A_677 = arith.constant 1 : i32
      %sub3A_678 = vector.broadcast %sub3A_677 : i32 to vector<16xi32>
      %sub3A_679 = arith.subi %div3A_652, %sub3A_678 : vector<16xi32>
      %select_n3A_680 = arith.select %and3A_676, %sub3A_679, %div3A_652 : vector<16xi1>, vector<16xi32>
      %jit3A_681 = arith.constant 26 : i32
      %eq3A_682 = arith.constant 0 : i32
      %eq3A_683 = arith.cmpi eq, %jit3A_681, %eq3A_682 : i32
      %jit3A_684 = arith.constant 1 : i32
      %select_n3A_685 = arith.select %eq3A_683, %jit3A_684, %jit3A_681 : i32
      %rem3A_686 = vector.broadcast %select_n3A_685 : i32 to vector<16xi32>
      %rem3A_687 = arith.remsi %add3A_649, %rem3A_686 : vector<16xi32>
      %ne3A_688 = arith.constant 0 : i32
      %ne3A_689 = vector.broadcast %ne3A_688 : i32 to vector<16xi32>
      %ne3A_690 = arith.cmpi ne, %rem3A_687, %ne3A_689 : vector<16xi32>
      %lt3A_691 = arith.constant 0 : i32
      %lt3A_692 = vector.broadcast %lt3A_691 : i32 to vector<16xi32>
      %lt3A_693 = arith.cmpi slt, %rem3A_687, %lt3A_692 : vector<16xi32>
      %lt3A_694 = arith.constant 0 : i32
      %lt3A_695 = arith.cmpi slt, %select_n3A_685, %lt3A_694 : i32
      %ne3A_696 = vector.broadcast %lt3A_695 : i1 to vector<16xi1>
      %ne3A_697 = vector.broadcast %ne3A_696 : vector<16xi1> to vector<16xi1>
      %ne3A_698 = arith.xori %lt3A_693, %ne3A_697 : vector<16xi1>
      %and3A_699 = arith.andi %ne3A_698, %ne3A_690 : vector<16xi1>
      %add3A_700 = vector.broadcast %select_n3A_685 : i32 to vector<16xi32>
      %add3A_701 = arith.addi %rem3A_687, %add3A_700 : vector<16xi32>
      %select_n3A_702 = arith.select %and3A_699, %add3A_701, %rem3A_687 : vector<16xi1>, vector<16xi32>
      %lt3A_703 = arith.constant 10 : i32
      %lt3A_704 = vector.broadcast %lt3A_703 : i32 to vector<16xi32>
      %lt3A_705 = arith.cmpi slt, %iota3A, %lt3A_704 : vector<16xi32>
      tpu.vector_store_idx %arg6[%select_n3A_680, %select_n3A_702, %get3A_646], %broadcast_in_dim3A_7 masked %lt3A_705 : memref<1x26x1000xf32, #tpu.memory_space<vmem>>[vector<16xi32>, vector<16xi32>, vector<16xi32>], vector<16xf32>, vector<16xi1>
      %mul3A_706 = arith.constant 26 : i32
      %mul3A_707 = arith.muli %add3A_565, %mul3A_706 : i32
      %add3A_708 = arith.constant 0 : i32
      %add3A_709 = arith.addi %mul3A_707, %add3A_708 : i32
      %get3A_710 = arith.index_cast %add3A_709 : i32 to index
      %get3A_711 = tpu.vector_load %arg4[%get3A_710] {strides = array<i32>} : memref<3328xi32, #tpu.memory_space<vmem>>, vector<16xi32>,
      %add3A_712 = arith.constant 0 : i32
      %add3A_713 = vector.broadcast %add3A_712 : i32 to vector<16xi32>
      %add3A_714 = arith.addi %add3A_713, %iota3A : vector<16xi32>
      %jit3A_715 = arith.constant 26 : i32
      %div3A_716 = vector.broadcast %jit3A_715 : i32 to vector<16xi32>
      %div3A_717 = arith.divsi %add3A_714, %div3A_716 : vector<16xi32>
      %sign3A_718 = arith.constant 0 : i32
      %sign3A_719 = vector.broadcast %sign3A_718 : i32 to vector<16xi32>
      %sign3A_720 = arith.cmpi sgt, %add3A_714, %sign3A_719 : vector<16xi32>
      %sign3A_721 = arith.extui %sign3A_720 : vector<16xi1> to vector<16xi32>
      %sign3A_722 = arith.constant 0 : i32
      %sign3A_723 = vector.broadcast %sign3A_722 : i32 to vector<16xi32>
      %sign3A_724 = arith.cmpi slt, %add3A_714, %sign3A_723 : vector<16xi32>
      %sign3A_725 = arith.extui %sign3A_724 : vector<16xi1> to vector<16xi32>
      %sign3A_726 = arith.subi %sign3A_721, %sign3A_725 : vector<16xi32>
      %sign3A_727 = arith.constant 0 : i32
      %sign3A_728 = arith.cmpi sgt, %jit3A_715, %sign3A_727 : i32
      %sign3A_729 = arith.extui %sign3A_728 : i1 to i32
      %sign3A_730 = arith.constant 0 : i32
      %sign3A_731 = arith.cmpi slt, %jit3A_715, %sign3A_730 : i32
      %sign3A_732 = arith.extui %sign3A_731 : i1 to i32
      %sign3A_733 = arith.subi %sign3A_729, %sign3A_732 : i32
      %ne3A_734 = vector.broadcast %sign3A_733 : i32 to vector<16xi32>
      %ne3A_735 = arith.cmpi ne, %sign3A_726, %ne3A_734 : vector<16xi32>
      %rem3A_736 = vector.broadcast %jit3A_715 : i32 to vector<16xi32>
      %rem3A_737 = arith.remsi %add3A_714, %rem3A_736 : vector<16xi32>
      %ne3A_738 = arith.constant 0 : i32
      %ne3A_739 = vector.broadcast %ne3A_738 : i32 to vector<16xi32>
      %ne3A_740 = arith.cmpi ne, %rem3A_737, %ne3A_739 : vector<16xi32>
      %and3A_741 = arith.andi %ne3A_735, %ne3A_740 : vector<16xi1>
      %sub3A_742 = arith.constant 1 : i32
      %sub3A_743 = vector.broadcast %sub3A_742 : i32 to vector<16xi32>
      %sub3A_744 = arith.subi %div3A_717, %sub3A_743 : vector<16xi32>
      %select_n3A_745 = arith.select %and3A_741, %sub3A_744, %div3A_717 : vector<16xi1>, vector<16xi32>
      %jit3A_746 = arith.constant 26 : i32
      %eq3A_747 = arith.constant 0 : i32
      %eq3A_748 = arith.cmpi eq, %jit3A_746, %eq3A_747 : i32
      %jit3A_749 = arith.constant 1 : i32
      %select_n3A_750 = arith.select %eq3A_748, %jit3A_749, %jit3A_746 : i32
      %rem3A_751 = vector.broadcast %select_n3A_750 : i32 to vector<16xi32>
      %rem3A_752 = arith.remsi %add3A_714, %rem3A_751 : vector<16xi32>
      %ne3A_753 = arith.constant 0 : i32
      %ne3A_754 = vector.broadcast %ne3A_753 : i32 to vector<16xi32>
      %ne3A_755 = arith.cmpi ne, %rem3A_752, %ne3A_754 : vector<16xi32>
      %lt3A_756 = arith.constant 0 : i32
      %lt3A_757 = vector.broadcast %lt3A_756 : i32 to vector<16xi32>
      %lt3A_758 = arith.cmpi slt, %rem3A_752, %lt3A_757 : vector<16xi32>
      %lt3A_759 = arith.constant 0 : i32
      %lt3A_760 = arith.cmpi slt, %select_n3A_750, %lt3A_759 : i32
      %ne3A_761 = vector.broadcast %lt3A_760 : i1 to vector<16xi1>
      %ne3A_762 = vector.broadcast %ne3A_761 : vector<16xi1> to vector<16xi1>
      %ne3A_763 = arith.xori %lt3A_758, %ne3A_762 : vector<16xi1>
      %and3A_764 = arith.andi %ne3A_763, %ne3A_755 : vector<16xi1>
      %add3A_765 = vector.broadcast %select_n3A_750 : i32 to vector<16xi32>
      %add3A_766 = arith.addi %rem3A_752, %add3A_765 : vector<16xi32>
      %select_n3A_767 = arith.select %and3A_764, %add3A_766, %rem3A_752 : vector<16xi1>, vector<16xi32>
      tpu.vector_store_idx %arg6[%select_n3A_745, %select_n3A_767, %get3A_711], %broadcast_in_dim3A_9 : memref<1x26x1000xf32, #tpu.memory_space<vmem>>[vector<16xi32>, vector<16xi32>, vector<16xi32>], vector<16xf32>,
      %mul3A_768 = arith.constant 26 : i32
      %mul3A_769 = arith.muli %add3A_565, %mul3A_768 : i32
      %add3A_770 = arith.constant 16 : i32
      %add3A_771 = arith.addi %mul3A_769, %add3A_770 : i32
      %get3A_772 = arith.index_cast %add3A_771 : i32 to index
      %get3A_773 = tpu.vector_load %arg4[%get3A_772] {strides = array<i32>} : memref<3328xi32, #tpu.memory_space<vmem>>, vector<16xi32>,
      %add3A_774 = arith.constant 16 : i32
      %add3A_775 = vector.broadcast %add3A_774 : i32 to vector<16xi32>
      %add3A_776 = arith.addi %add3A_775, %iota3A : vector<16xi32>
      %jit3A_777 = arith.constant 26 : i32
      %div3A_778 = vector.broadcast %jit3A_777 : i32 to vector<16xi32>
      %div3A_779 = arith.divsi %add3A_776, %div3A_778 : vector<16xi32>
      %sign3A_780 = arith.constant 0 : i32
      %sign3A_781 = vector.broadcast %sign3A_780 : i32 to vector<16xi32>
      %sign3A_782 = arith.cmpi sgt, %add3A_776, %sign3A_781 : vector<16xi32>
      %sign3A_783 = arith.extui %sign3A_782 : vector<16xi1> to vector<16xi32>
      %sign3A_784 = arith.constant 0 : i32
      %sign3A_785 = vector.broadcast %sign3A_784 : i32 to vector<16xi32>
      %sign3A_786 = arith.cmpi slt, %add3A_776, %sign3A_785 : vector<16xi32>
      %sign3A_787 = arith.extui %sign3A_786 : vector<16xi1> to vector<16xi32>
      %sign3A_788 = arith.subi %sign3A_783, %sign3A_787 : vector<16xi32>
      %sign3A_789 = arith.constant 0 : i32
      %sign3A_790 = arith.cmpi sgt, %jit3A_777, %sign3A_789 : i32
      %sign3A_791 = arith.extui %sign3A_790 : i1 to i32
      %sign3A_792 = arith.constant 0 : i32
      %sign3A_793 = arith.cmpi slt, %jit3A_777, %sign3A_792 : i32
      %sign3A_794 = arith.extui %sign3A_793 : i1 to i32
      %sign3A_795 = arith.subi %sign3A_791, %sign3A_794 : i32
      %ne3A_796 = vector.broadcast %sign3A_795 : i32 to vector<16xi32>
      %ne3A_797 = arith.cmpi ne, %sign3A_788, %ne3A_796 : vector<16xi32>
      %rem3A_798 = vector.broadcast %jit3A_777 : i32 to vector<16xi32>
      %rem3A_799 = arith.remsi %add3A_776, %rem3A_798 : vector<16xi32>
      %ne3A_800 = arith.constant 0 : i32
      %ne3A_801 = vector.broadcast %ne3A_800 : i32 to vector<16xi32>
      %ne3A_802 = arith.cmpi ne, %rem3A_799, %ne3A_801 : vector<16xi32>
      %and3A_803 = arith.andi %ne3A_797, %ne3A_802 : vector<16xi1>
      %sub3A_804 = arith.constant 1 : i32
      %sub3A_805 = vector.broadcast %sub3A_804 : i32 to vector<16xi32>
      %sub3A_806 = arith.subi %div3A_779, %sub3A_805 : vector<16xi32>
      %select_n3A_807 = arith.select %and3A_803, %sub3A_806, %div3A_779 : vector<16xi1>, vector<16xi32>
      %jit3A_808 = arith.constant 26 : i32
      %eq3A_809 = arith.constant 0 : i32
      %eq3A_810 = arith.cmpi eq, %jit3A_808, %eq3A_809 : i32
      %jit3A_811 = arith.constant 1 : i32
      %select_n3A_812 = arith.select %eq3A_810, %jit3A_811, %jit3A_808 : i32
      %rem3A_813 = vector.broadcast %select_n3A_812 : i32 to vector<16xi32>
      %rem3A_814 = arith.remsi %add3A_776, %rem3A_813 : vector<16xi32>
      %ne3A_815 = arith.constant 0 : i32
      %ne3A_816 = vector.broadcast %ne3A_815 : i32 to vector<16xi32>
      %ne3A_817 = arith.cmpi ne, %rem3A_814, %ne3A_816 : vector<16xi32>
      %lt3A_818 = arith.constant 0 : i32
      %lt3A_819 = vector.broadcast %lt3A_818 : i32 to vector<16xi32>
      %lt3A_820 = arith.cmpi slt, %rem3A_814, %lt3A_819 : vector<16xi32>
      %lt3A_821 = arith.constant 0 : i32
      %lt3A_822 = arith.cmpi slt, %select_n3A_812, %lt3A_821 : i32
      %ne3A_823 = vector.broadcast %lt3A_822 : i1 to vector<16xi1>
      %ne3A_824 = vector.broadcast %ne3A_823 : vector<16xi1> to vector<16xi1>
      %ne3A_825 = arith.xori %lt3A_820, %ne3A_824 : vector<16xi1>
      %and3A_826 = arith.andi %ne3A_825, %ne3A_817 : vector<16xi1>
      %add3A_827 = vector.broadcast %select_n3A_812 : i32 to vector<16xi32>
      %add3A_828 = arith.addi %rem3A_814, %add3A_827 : vector<16xi32>
      %select_n3A_829 = arith.select %and3A_826, %add3A_828, %rem3A_814 : vector<16xi1>, vector<16xi32>
      %lt3A_830 = arith.constant 10 : i32
      %lt3A_831 = vector.broadcast %lt3A_830 : i32 to vector<16xi32>
      %lt3A_832 = arith.cmpi slt, %iota3A, %lt3A_831 : vector<16xi32>
      tpu.vector_store_idx %arg6[%select_n3A_807, %select_n3A_829, %get3A_773], %broadcast_in_dim3A_9 masked %lt3A_832 : memref<1x26x1000xf32, #tpu.memory_space<vmem>>[vector<16xi32>, vector<16xi32>, vector<16xi32>], vector<16xf32>, vector<16xi1>
      %mul3A_833 = arith.constant 1 : i32
      %mul3A_834 = arith.muli %add3A_565, %mul3A_833 : i32
      %add3A_835 = arith.addi %mul3A_2, %mul3A_834 : i32
      %dma_start3A_836 = arith.constant 0 : i32
      %dma_start3A_837 = arith.constant 0 : i32
      %dma_start3A_838 = tpu.memref_slice %arg3[%add3A_835, %dma_start3A_836, %dma_start3A_837] : memref<4096x26x1000xf32, #tpu.memory_space<hbm>> -> memref<1x26x1000xf32, #tpu.memory_space<hbm>>
      %dma_start3A_839 = arith.constant 0 : i32
      %dma_start3A_840 = arith.constant 0 : i32
      %dma_start3A_841 = tpu.memref_slice %arg3[%add3A_835, %dma_start3A_839, %dma_start3A_840] : memref<4096x26x1000xf32, #tpu.memory_space<hbm>> -> memref<1x26x1000xf32, #tpu.memory_space<hbm>>
      tpu.enqueue_dma source(%arg6 : memref<1x26x1000xf32, #tpu.memory_space<vmem>>) target(%dma_start3A_841 : memref<1x26x1000xf32, #tpu.memory_space<hbm>>) target_semaphore(%arg8 : memref<!tpu.dma_semaphore, #tpu.memory_space<semaphore_mem>>)
      %scan3A_842 = arith.constant 0 : i32
      scf.yield %scan3A_842 : i32
    }
    %scan3A_264 = arith.constant 63 : i32
    %add3A_265 = arith.constant 126 : i32
    %add3A_266 = arith.addi %mul3A_2, %add3A_265 : i32
    %dma_wait3A = arith.constant 0 : i32
    %dma_wait3A_267 = arith.constant 0 : i32
    %dma_wait3A_268 = tpu.memref_slice %arg3[%add3A_266, %dma_wait3A, %dma_wait3A_267] : memref<4096x26x1000xf32, #tpu.memory_space<hbm>> -> memref<1x26x1000xf32, #tpu.memory_space<hbm>>
    %dma_wait3A_269 = arith.constant 0 : i32
    %dma_wait3A_270 = arith.constant 0 : i32
    %dma_wait3A_271 = tpu.memref_slice %arg3[%add3A_266, %dma_wait3A_269, %dma_wait3A_270] : memref<4096x26x1000xf32, #tpu.memory_space<hbm>> -> memref<1x26x1000xf32, #tpu.memory_space<hbm>>
    tpu.wait_dma2 semaphore(%arg7 : memref<!tpu.dma_semaphore, #tpu.memory_space<semaphore_mem>>) src(%arg5 : memref<1x26x1000xf32, #tpu.memory_space<vmem>>) dst(%dma_wait3A_271 : memref<1x26x1000xf32, #tpu.memory_space<hbm>>)
    %add3A_272 = arith.constant 127 : i32
    %add3A_273 = arith.addi %mul3A_2, %add3A_272 : i32
    %dma_wait3A_274 = arith.constant 0 : i32
    %dma_wait3A_275 = arith.constant 0 : i32
    %dma_wait3A_276 = tpu.memref_slice %arg3[%add3A_273, %dma_wait3A_274, %dma_wait3A_275] : memref<4096x26x1000xf32, #tpu.memory_space<hbm>> -> memref<1x26x1000xf32, #tpu.memory_space<hbm>>
    %dma_wait3A_277 = arith.constant 0 : i32
    %dma_wait3A_278 = arith.constant 0 : i32
    %dma_wait3A_279 = tpu.memref_slice %arg3[%add3A_273, %dma_wait3A_277, %dma_wait3A_278] : memref<4096x26x1000xf32, #tpu.memory_space<hbm>> -> memref<1x26x1000xf32, #tpu.memory_space<hbm>>
    tpu.wait_dma2 semaphore(%arg8 : memref<!tpu.dma_semaphore, #tpu.memory_space<semaphore_mem>>) src(%arg6 : memref<1x26x1000xf32, #tpu.memory_space<vmem>>) dst(%dma_wait3A_279 : memref<1x26x1000xf32, #tpu.memory_space<hbm>>)
    return
  }
}

</mosaic_0001>

<sc_bundles>
// kernel: kernel.3.cloned.1.call-start
scs
__scs_entry_jumppad:
0x0: {  	(pc) =	sbr.rel $0x88, $3  }
0x1: {  	(tag) =	ssettag $0x0;
	lr =	simm.s32 $0x1  }
0x2: {  	[smem:$0x3FA0] =	sst lr;
	_ =	strace $0xD0000000  }
0x3: {  	_ = 	snop  }
0x4: {  	_ = 	snop  }
0x5: {  	_ = 	snop  }
0x6: {  	_ = 	snop  }
0x7: {  	_ = 	snop  }
__scs_overlays_trampoline_lowered:
0x8: {  	[smem:$0x3FAF] =	sst s0  }
0x9: {  	[smem:$0x3FB0] =	sst s1  }
0xa: {  	[smem:$0x3FB1] =	sst s2  }
0xb: {  	[smem:$0x3FB2] =	sst s3  }
0xc: {  	[smem:$0x3FB3] =	sst s4  }
0xd: {  	[smem:$0x3FB4] =	sst s5  }
0xe: {  	[smem:$0x3FB5] =	sst s6  }
0xf: {  	[smem:$0x3FB6] =	sst s7  }
0x10: {  	[smem:$0x3FB7] =	sst s8  }
0x11: {  	[smem:$0x3FB8] =	sst s9;
	s0 =	simm.s32 @!p0 $0x0  }
0x12: {  	s1 =	sld [smem:$0x3F9E];
	s0 =	simm.s32 @p0 $0x1  }
0x13: {  	[smem:$0x3FB9] =	sst s0;
	s0 =	simm.s32 @!p1 $0x0  }
0x14: {  	s2 =	sld [smem:$0x3F9D];
	s0 =	simm.s32 @p1 $0x1  }
0x15: {  	[smem:$0x3FBA] =	sst s0;
	s0 =	simm.s32 @!p2 $0x0  }
0x16: {  	s3 =	sld [smem:$0x3FDB];
	s0 =	simm.s32 @p2 $0x1  }
0x17: {  	s4 =	simm.s32 $0x1BF5;
	[smem:$0x3FBC] =	sst s0  }
0x18: {  	s0 =	sld [smem:$0x3F9F];
	_ =	swait.ge [sflag:s4], $0x0  }
0x19: {  	s7 =	sld [smem:$0x3FA0]  }
0x1a: {  	s8 =	sadd.s32 $0xFFFFE003, lr  }
0x1b: {  	s9 =	sadd.s32 $0xFFFFFEF7, lr;
	s5 =	simm.s32 $0xFFFFFFFF;
	p2 =	slt.u32 s8, $0xFFFFF086  }
0x1c: {  	p1 =	slt.u32 s9, $0xF7A;
	s5 =	simm.s32 @!p2 $0x0  }
0x1d: {  	s5 =	simm.s32 @p1 $0x1;
	p0 =	seq.s32 s7, s2  }
0x1e: {  	s7 =	smul.u32 @!p0 $0xF7A, s2;
	p2 =	seq.s32 @!p0 s5, $0x0  }
0x1f: {  	s9 =	smul.u32 $0xF7A, s1;
	s8 =	simm.s32 @!p0 $0x1BF5;
	p2 =	por !p2, p0  }
0x20: {  	[sflag:s8] =	ssyncset.s32 @!p0 $0xFFFFF086;
	s6 =	sadd.s32 @!p0 s3, s7;
	s7 =	simm.s32 @!p0 $0x108  }
0x21: {  	s3 =	sadd.s32 s3, s9;
	s6 =	sadd.s32 @!p0 $0x88, s6;
	s7 =	simm.s32 @p2 $0x1082  }
0x22: {  	[simem:s7], [sflag:s8] =	dma.local @!p0 [hbm:s6], $0xF7A  }
0x23: {  	s9 =	sor.u32 $0xD0000000, s2;
	s6 =	simm.s32 $0x108;
	_ =	swait.ge @!p0 [sflag:s8], $0x0  }
0x24: {  	s3 =	sadd.s32 $0x88, s3;
	s6 =	simm.s32 @!p1 $0x1082;
	[sflag:s4] =	ssyncset.s32 $0xFFFFF086  }
0x25: {  	[simem:s6], [sflag:s4] =	dma.local [hbm:s3], $0xF7A  }
0x26: {  	[smem:$0x3FA0] =	sst s1;
	(tag) =	ssettag s2;
	_ =	strace s9  }
0x27: {  	s1 =	sld [smem:$0x3FB0]  }
0x28: {  	s2 =	sld [smem:$0x3FB1]  }
0x29: {  	s4 =	sld [smem:$0x3FB3]  }
0x2a: {  	p0 =	seq.s32 s5, $0x0;
	s5 =	sld [smem:$0x3FB4]  }
0x2b: {  	s6 =	sld [smem:$0x3FB5]  }
0x2c: {  	s7 =	sld [smem:$0x3FB6]  }
0x2d: {  	s3 =	simm.s32 $0x108;
	s8 =	sld [smem:$0x3FB7]  }
0x2e: {  	s3 =	simm.s32 @!p0 $0x1082;
	s9 =	sld [smem:$0x3FB8]  }
0x2f: {  	lr =	sadd.s32 s0, s3;
	s0 =	sld [smem:$0x3FAF]  }
0x30: {  	s3 =	sld [smem:$0x3FB2]  }
0x31: {  	[smem:$0x3FBB] =	sst s10  }
0x32: {  	s10 =	sld [smem:$0x3FB9];
	_ =	sdelay $0x3  }
0x33: {  	p0 =	seq.s32 s10, $0x1;
	s10 =	sld [smem:$0x3FBB];
	_ =	sdelay $0x3  }
0x34: {  	[smem:$0x3FBB] =	sst s10  }
0x35: {  	s10 =	sld [smem:$0x3FBA];
	_ =	sdelay $0x3  }
0x36: {  	p1 =	seq.s32 s10, $0x1;
	s10 =	sld [smem:$0x3FBB];
	_ =	sdelay $0x3  }
0x37: {  	[smem:$0x3FBB] =	sst s10  }
0x38: {  	s10 =	sld [smem:$0x3FBC]  }
0x39: {  	_ = 	snop;
	(pc) =	sbr.ind lr, $3  }
0x3a: {  	_ = 	snop  }
0x3b: {  	_ = 	snop  }
0x3c: {  	p2 =	seq.s32 s10, $0x1;
	s10 =	sld [smem:$0x3FBB]  }
0x3d: {  	_ =	shalt  }
0x3e: {  	_ =	shalt  }
0x3f: {  	_ =	shalt  }
0x40: {  	_ =	shalt  }
0x41: {  	_ =	shalt  }
0x42: {  	_ =	shalt  }
0x43: {  	_ =	shalt  }
0x44: {  	_ =	shalt  }
0x45: {  	_ =	shalt  }
0x46: {  	_ =	shalt  }
0x47: {  	_ =	shalt  }
0x48: {  	_ =	shalt  }
0x49: {  	_ =	shalt  }
0x4a: {  	_ =	shalt  }
0x4b: {  	_ =	shalt  }
0x4c: {  	_ =	shalt  }
0x4d: {  	_ =	shalt  }
0x4e: {  	_ =	shalt  }
0x4f: {  	_ =	shalt  }
0x50: {  	_ =	shalt  }
0x51: {  	_ =	shalt  }
0x52: {  	_ =	shalt  }
0x53: {  	_ =	shalt  }
0x54: {  	_ =	shalt  }
0x55: {  	_ =	shalt  }
0x56: {  	_ =	shalt  }
0x57: {  	_ =	shalt  }
0x58: {  	_ =	shalt  }
0x59: {  	_ =	shalt  }
0x5a: {  	_ =	shalt  }
0x5b: {  	_ =	shalt  }
0x5c: {  	_ =	shalt  }
0x5d: {  	_ =	shalt  }
0x5e: {  	_ =	shalt  }
0x5f: {  	_ =	shalt  }
0x60: {  	_ =	shalt  }
0x61: {  	_ =	shalt  }
0x62: {  	_ =	shalt  }
0x63: {  	_ =	shalt  }
0x64: {  	_ =	shalt  }
0x65: {  	_ =	shalt  }
0x66: {  	_ =	shalt  }
0x67: {  	_ =	shalt  }
0x68: {  	_ =	shalt  }
0x69: {  	_ =	shalt  }
0x6a: {  	_ =	shalt  }
0x6b: {  	_ =	shalt  }
0x6c: {  	_ =	shalt  }
0x6d: {  	_ =	shalt  }
0x6e: {  	_ =	shalt  }
0x6f: {  	_ =	shalt  }
0x70: {  	_ =	shalt  }
0x71: {  	_ =	shalt  }
0x72: {  	_ =	shalt  }
0x73: {  	_ =	shalt  }
0x74: {  	_ =	shalt  }
0x75: {  	_ =	shalt  }
0x76: {  	_ =	shalt  }
0x77: {  	_ =	shalt  }
0x78: {  	_ =	shalt  }
0x79: {  	_ =	shalt  }
0x7a: {  	_ =	shalt  }
0x7b: {  	_ =	shalt  }
0x7c: {  	_ =	shalt  }
0x7d: {  	_ =	shalt  }
0x7e: {  	_ =	shalt  }
0x7f: {  	_ =	shalt  }
0x80: {  	_ =	shalt  }
0x81: {  	_ =	shalt  }
0x82: {  	_ =	shalt  }
0x83: {  	_ =	shalt  }
0x84: {  	_ =	shalt  }
0x85: {  	_ =	shalt  }
0x86: {  	_ =	shalt  }
0x87: {  	_ =	shalt  }
.Lfunc_end0:
.L_simem_size_0:
called_computation_lowered:
.L_overlay_start_0:
0x88: {  	s2 =	sld [smem:$0x3FD9]  }
0x89: {  	s3 =	sld [smem:$0x3FFE];
	_ =	sdelay $0x1  }
0x8a: {  	s1 =	srdreg.scid  }
0x8b: {  	s0 =	sand.u32 $0x1, s1  }
0x8c: {  	s17 =	sshll.u32 s0, $0xA;
	s2 =	sadd.s32 s3, s2  }
0x8d: {  	s2 =	sadd.s32 s2, s17  }
0x8e: {  	[smem:$0x3FC7] =	sst s2  }
0x8f: {  	_ = 	snop  }
0x90: {  	s2 =	sld [smem:$0x3FD0];
	(tm) =	ssettm $0x1  }
0x91: {  	s18 =	sld [smem:$0x3FFB];
	_ =	sdelay $0x3  }
0x92: {  	_ =	strace s18  }
0x93: {  	s3 =	sld [smem:$0x3FFC];
	_ =	sdelay $0x3  }
0x94: {  	_ =	strace s3  }
0x95: {  	s3 =	sld [smem:$0x3FFD];
	_ =	sdelay $0x3  }
0x96: {  	_ =	strace s3  }
0x97: {  	_ =	strace $0x8FFFFFFF  }
0x98: {  	s19 =	sld [smem:$0x3FDB];
	_ =	sdelay $0x1  }
0x99: {  	s4 =	simm.s32 $_scs_section_size  }
0x9a: {  	s5 =	simm.s32 $_size__tile_overlayer_lowered;
	s6 =	simm.s32 $_tile_overlayer_lowered  }
0x9b: {  	s22 =	simm.s32 $0x1BFF;
	s21 =	sshll.u32 s6, $0x1;
	s3 =	sadd.s32 s4, s19  }
0x9c: {  	s7 =	simm.s32 $0x0;
	s20 =	sshll.u32 s5, $0x1;
	s5 =	sadd.s32 s21, s3  }
0x9d: {  	[timem:s7], [sflag:s22] =	dma.local [hbm:s5], s20  }
0x9e: {  	_ =	swait.ge [sflag:s22], s20  }
0x9f: {  	s4 =	ssub.s32 $0x0, s20;
	[sflag:s22] =	ssyncset.done $0x0  }
0xa0: {  	[sflag:s22] =	ssyncadd.s32 s4;
	_ =	sdelay $0x1  }
0xa1: {  	s23 =	simm.s32 $0x1B8B  }
0xa2: {  	_ =	swait.ge [sflag:s23], $0x1  }
0xa3: {  	[sflag:s23] =	ssyncset.done $0x0  }
0xa4: {  	s25 =	simm.s32 $0x1B8E;
	s24 =	sld [smem:$0x3FFE];
	[sflag:s23] =	ssyncadd.s32 $0xFFFFFFFF  }
0xa5: {  	s26 =	simm.s32 $execute0_lowered;
	[smem:$0x3FD2] =	sst s25  }
0xa6: {  	s5 =	sshll.u32 s26, $0x1;
	_ =	strace $0x80000046;
	[dreg:$0x1] =	wrdreg $0xFFFFFFFF  }
0xa7: {  	s28 =	simm.s32 $_size_execute0_lowered;
	s3 =	sadd.s32 s3, s5;
	[dreg:$0x0] =	wrdreg $0x0  }
0xa8: {  	s5 =	sshll.u32 s28, $0x1;
	[dreg:$0x2] =	wrdreg s3  }
0xa9: {  	[dreg:$0x3] =	wrdreg s5  }
0xaa: {  	[dreg:$0x4] =	wrdreg $0xC0  }
0xab: {  	_ =	task [dreg:s7], $0x5FFFF  }
0xac: {  	[dreg:$0x1] =	wrdreg $0xFFFFFFFF  }
0xad: {  	[dreg:$0x0] =	wrdreg $0x60  }
0xae: {  	[dreg:$0x2] =	wrdreg s2  }
0xaf: {  	[dreg:$0x3] =	wrdreg s24  }
0xb0: {  	[dreg:$0x4] =	wrdreg $0x9  }
0xb1: {  	_ =	task.clear_ibuf [dreg:s7], $0x5FFFF;
	_ =	strace $0x90000046  }
0xb2: {  	s29 =	simm.s32 $0x9;
	_ =	strace $0x80000048  }
0xb3: {  	_ =	swait.ge [sflag:s29], $0x1  }
0xb4: {  	[sflag:s29] =	ssyncadd.s32 $0xFFFFFFFF  }
0xb5: {  	_ =	strace $0x90000048  }
0xb6: {  	_ =	sfence  }
0xb7: {  	s30 =	sld [smem:$0x0];
	_ =	sdelay $0x2  }
0xb8: {  	s31 =	sshll.u32 s1, $0xD;
	s1 =	sshrl.u32 s1, $0x2  }
0xb9: {  	s3 =	sand.u32 $0x4000, s31;
	s1 =	sadd.s32 s1, s30  }
0xba: {  	s0 =	sor.u32 s3, s0;
	s1 =	sshll.u32 s1, $0x11  }
0xbb: {  	s0 =	sor.u32 s1, s0  }
0xbc: {  	s0 =	sadd.s32 $0x8F2B, s0  }
0xbd: {  	[sflag:s0] =	ssyncadd.remote.s32 $0x1  }
0xbe: {  	_ =	sfence.sel $0xFFFF  }
0xbf: {  	[dreg:$0x0] =	wrdreg $0xFFFFFFFF;
	(pc) =	sbr.abs _section_cstart, $3  }
0xc0: {  	[dreg:$0x1] =	wrdreg $0xFFFFFFFF  }
0xc1: {  	_ =	task.clear_ibuf [dreg:s7], $0x2FFFF;
	_ =	strace $0x9FFFFFFF  }
0xc2: {  	(tm) =	ssettm $0x7FFFFFFF  }
0xc3: {  	_ =	shalt  }
tec
execute0_lowered:
.L_overlay_start_1:
0x0: {  	(tag) =	ssettag $0x1  }
0x1: {  	v0 =	vimm.s32 $0xECA86420;
	v1 =	vimm.s32 $0x0;
	vm0 =	vcmask $0xB08  }
0x2: {  	vm1 =	vcmask $0x1310;
	vm2 =	vcmask $0x1B18;
	vm9 =	vcmask $0x300  }
0x3: {  	v3 =	vimm.s32 $0x2380;
	v4 =	vimm.s32 $0x8280;
	vm3 =	vcmask $0x704  }
0x4: {  	vm6 =	vcmask $0x2320;
	vm8 =	vcmask $0xF0C;
	vm7 =	vcmask $0x2B28  }
0x5: {  	vm14 =	vcmask $0x3330;
	vm10 =	vcmask $0x1F1C;
	vm11 =	vcmask $0x3B38  }
0x6: {  	vm13 =	vcmask $0x2724;
	v3 =	vsel vm9, $0x0, v3;
	v4 =	vsel vm9, $0x4000, v4  }
0x7: {  	vm4 =	vmmov $0xff;
	v3 =	vsel vm3, $0x80, v3;
	v4 =	vsel vm3, $0x4080, v4  }
0x8: {  	s0 =	rddreg [dreg:$0x0];
	v6 =	vimm.s32 $0x0;
	v3 =	vsel vm0, $0x100, v3;
	v4 =	vsel vm0, $0x4100, v4  }
0x9: {  	s1 =	rddreg [dreg:$0x1];
	s8 =	simm.s32 $0x0;
	s2 =	srdreg.scid;
	vm5 =	vmmov vm3;
	v3 =	vsel vm8, $0x180, v3;
	v4 =	vsel vm8, $0x4180, v4  }
0xa: {  	s7 =	stileid.u32;
	[smem:$0x7FF] =	sst s8;
	vm3 =	vcmask $0x1714;
	v3 =	vsel vm1, $0x200, v3;
	v4 =	vsel vm1, $0x4200, v4  }
0xb: {  	vm15 =	vcmask $0x1714;
	s2 =	sand.u32 $0x1, s2;
	s3 =	sshll.u32 s7, $0x1;
	s1 =	sadd.s32 $0x400, s1;
	v3 =	vsel vm3, $0x280, v3;
	v4 =	vsel vm3, $0x4280, v4  }
0xc: {  	v2 =	vunpack.c.l.s4.s8 v0;
	s7 =	sshll.u32 s7, $0x14;
	_ =	strace $0x80000047;
	s3 =	sor.u32 s2, s3;
	v3 =	vsel vm2, $0x300, v3;
	v4 =	vsel vm2, $0x4300, v4  }
0xd: {  	v0 =	vlaneseq.u32;
	s4 =	ssub.s32 $0x2, s2;
	s6 =	smul.u32 $0x1A0, s3;
	s3 =	sshll.u32 s3, $0x13;
	v3 =	vsel vm10, $0x380, v3;
	v4 =	vsel vm10, $0x4380, v4  }
0xe: {  	v6 =	vsel vm4, $0xFFFFFFFF, v6;
	s2 =	sshll.u32 s2, $0x13;
	s5 =	sshrl.u32 s4, $0x1;
	s3 =	sadd.s32 s1, s3;
	v5 =	vsel vm6, $0x2000, v3;
	v4 =	vsel vm6, $0x6000, v4  }
0xf: {  	vm4 =	vcmask $0x3734;
	s2 =	sor.u32 s2, s7;
	s0 =	sadd.s32 s0, s6;
	[dreg:$0x6] =	wrdreg s3;
	v5 =	vsel vm13, $0x2080, v5;
	v4 =	vsel vm13, $0x6080, v4  }
0x10: {  	s4 =	ssub.s32 s4, s5;
	s26 =	sadd.s32 $0x1000, s3;
	vm3 =	vcmask $0x2F2C;
	[dreg:$0x7] =	wrdreg s0;
	v5 =	vsel vm7, $0x2100, v5;
	v4 =	vsel vm7, $0x8000, v4  }
0x11: {  	v2 =	vunpack.c.0.s8.s32 v2;
	s28 =	sadd.s32 s2, s1;
	s29 =	smax.u32 s4, $0x1;
	[dreg:$0x8] =	wrdreg s26;
	v5 =	vsel vm3, $0x2180, v5;
	v4 =	vsel vm3, $0x8080, v4  }
0x12: {  	[tilespmem:$0x1FFF0] =	vst v6;
	s30 =	sadd.s32 $0x2000, s28;
	[dreg:$0x9] =	wrdreg s29;
	v3 =	vmul.u32 $0x2, v0;
	v5 =	vsel vm14, $0x2200, v5;
	v6 =	vsel vm14, $0x8100, v4  }
0x13: {  	s31 =	sadd.s32 $0x3000, s28;
	[dreg:$0xa] =	wrdreg s30;
	v4 =	vimm.f32 $0.0e+00;
	v5 =	vsel vm4, $0x2280, v5;
	v7 =	vsel vm4, $0x8180, v6  }
0x14: {  	s11 =	simm.s32 $0xD00;
	s1 =	simm.s32 $0x0;
	[dreg:$0xb] =	wrdreg s31;
	v6 =	vimm.f32 $1.000000000e+00;
	v5 =	vsel vm11, $0x2300, v5;
	v7 =	vsel vm11, $0x8200, v7  }
.LBB2_1:
0x15: {  	v14 =	vor.u32 s8, v0  }
0x16: {  	v8 =	vmulhi.u32 $0x10624DD3, v14;
	_ =	sdelay $0x1  }
0x17: {  	v8 =	vshrl.u32 v8, $0x6  }
0x18: {  	v9 =	vmul.u32 $0xFFFFFC18, v8;
	_ =	sdelay $0x1  }
0x19: {  	v12 =	vmov s8;
	v13 =	vadd.s32 v14, v9  }
0x1a: {  	s0 =	rddreg [dreg:$0x7];
	vm12 =	veq.s32 v12, v0;
	v9 =	vimm.s32 $0x0;
	vm4 =	vne.s32 v13, $0x0  }
0x1b: {  	[tilespmem:s8], [sflag:$0x3] =	stream.linear.gather [hbm4b:s0+s8], $0xD00, $0x38;
	v9 =	vsel vm12, $0xFFFFFFFF, v9;
	vm4 =	vmand vm12, vm4;
	[tilespmem:$0x10D00] =	vst v63  }
0x1c: {  	[dreg:$0xc] =	wrdreg s1;
	s10 =	simm.s32 $0x3;
	[tilespmem:$0x1FFD0] =	vst v9;
	v9 =	vsel vm4, $0xFFFFFFFF, v1  }
0x1d: {  	_ =	swait.ge [sflag:s10], $0xD00;
	v10 =	vadd.s32 v9, v8  }
0x1e: {  	(v2sf) =	vpush v10, $0x0  }
0x1f: {  	(v2sf) =	vpush v10, $0x7;
	_ =	sdelay $0x2  }
0x20: {  	(v2sf) =	vpush v10, $0x1  }
0x21: {  	(v2sf) =	vpush v10, $0x2;
	_ =	sdelay $0x1  }
0x22: {  	(v2sf) =	vpush v10, $0xB;
	_ =	sdelay $0x2  }
0x23: {  	(v2sf) =	vpush v10, $0x3  }
0x24: {  	(v2sf) =	vpush v10, $0x4  }
0x25: {  	(v2sf) =	vpush v10, $0x5;
	_ =	sdelay $0x1  }
0x26: {  	(v2sf) =	vpush v10, $0xC  }
0x27: {  	s4 =	spop (v2sf)  }
0x28: {  	s25 =	spop (v2sf);
	s2 =	smulhi.u32 $0x4EC4EC4F, s4  }
0x29: {  	(v2sf) =	vpush v10, $0x6;
	s4 =	sshra.s32 s4, $0x1F;
	s7 =	smulhi.u32 $0x4EC4EC4F, s25  }
0x2a: {  	s3 =	sshra.s32 s25, $0x1F;
	s4 =	smul.u32 $0x4EC4EC4F, s4  }
0x2b: {  	s5 =	spop (v2sf);
	s9 =	smul.u32 $0x4EC4EC4F, s3  }
0x2c: {  	s6 =	spop (v2sf);
	s14 =	smulhi.u32 $0x4EC4EC4F, s5  }
0x2d: {  	s5 =	sshra.s32 s5, $0x1F;
	s17 =	smulhi.u32 $0x4EC4EC4F, s6  }
0x2e: {  	(v2sf) =	vpush v10, $0x8;
	s26 =	spop (v2sf);
	s5 =	smul.u32 $0x4EC4EC4F, s5  }
0x2f: {  	(v2sf) =	vpush v10, $0x9;
	s6 =	sshra.s32 s6, $0x1F;
	s15 =	smulhi.u32 $0x4EC4EC4F, s26  }
0x30: {  	(v2sf) =	vpush v10, $0xA;
	s1 =	sshra.s32 s26, $0x1F;
	s6 =	smul.u32 $0x4EC4EC4F, s6  }
0x31: {  	s20 =	simm.s32 $0x10;
	(v2sf) =	vpush v10, $0xE;
	s3 =	spop (v2sf);
	s1 =	smul.u32 $0x4EC4EC4F, s1  }
0x32: {  	v15 =	vor.u32 s20, v0;
	(v2sf) =	vpush v10, $0xD;
	s12 =	spop (v2sf);
	s30 =	sshra.s32 s3, $0x1F;
	s3 =	smulhi.u32 $0x4EC4EC4F, s3  }
0x33: {  	v8 =	vmulhi.u32 $0x10624DD3, v15;
	s9 =	sadd.s32 s9, s7;
	s16 =	spop (v2sf);
	s8 =	smul.u32 $0x4EC4EC4F, s30  }
0x34: {  	(v2sf) =	vpush v10, $0xF;
	s28 =	sshra.s32 s9, $0x1F;
	s22 =	sshra.s32 s12, $0x1F;
	s23 =	smulhi.u32 $0x4EC4EC4F, s16  }
0x35: {  	s7 =	sadd.s32 s6, s17;
	s18 =	spop (v2sf);
	s6 =	smul.u32 $0x4EC4EC4F, s22  }
0x36: {  	v9 =	vshrl.u32 v8, $0x6;
	s14 =	sadd.s32 s5, s14;
	s24 =	sshra.s32 s16, $0x1F;
	s26 =	smulhi.u32 $0x4EC4EC4F, s18  }
0x37: {  	v8 =	vmul.u32 $0xFFFFFC18, v9;
	s16 =	sshra.s32 s9, $0x3;
	s0 =	sshra.s32 s18, $0x1F;
	s24 =	smul.u32 $0x4EC4EC4F, s24  }
0x38: {  	s15 =	sadd.s32 s1, s15;
	s19 =	spop (v2sf);
	s30 =	smul.u32 $0x4EC4EC4F, s0  }
0x39: {  	v11 =	vmov s20;
	v8 =	vadd.s32 v15, v8;
	s8 =	sadd.s32 s8, s3;
	s21 =	smulhi.u32 $0x4EC4EC4F, s19;
	s19 =	sshra.s32 s19, $0x1F  }
0x3a: {  	v16 =	vimm.s32 $0x0;
	vm12 =	veq.s32 v11, v0;
	vm4 =	vne.s32 v8, $0x0;
	s19 =	smul.u32 $0x4EC4EC4F, s19;
	s22 =	sadd.s32 s30, s26;
	s30 =	sadd.s32 s4, s2  }
0x3b: {  	v16 =	vsel vm12, $0xFFFFFFFF, v16;
	vm4 =	vmand vm12, vm4;
	s26 =	smulhi.u32 $0x4EC4EC4F, s12;
	s12 =	sshrl.u32 s7, $0x1F;
	s2 =	sadd.s32 s24, s23  }
0x3c: {  	[tilespmem:$0x1FFE0] =	vst v16;
	v16 =	vsel vm4, $0xFFFFFFFF, v1;
	s18 =	sadd.s32 s19, s21;
	s19 =	sshrl.u32 s9, $0x1F;
	s3 =	sshra.s32 s22, $0x3  }
0x3d: {  	v9 =	vadd.s32 v16, v9;
	v16 =	vmov s28;
	s1 =	sshra.s32 s30, $0x1F;
	s28 =	sshrl.u32 s30, $0x1F;
	s25 =	spop (v2sf)  }
0x3e: {  	s6 =	sadd.s32 s6, s26;
	s29 =	spop (v2sf);
	s23 =	smulhi.u32 $0x4EC4EC4F, s25  }
0x3f: {  	s31 =	spop (v2sf);
	s21 =	smulhi.u32 $0x4EC4EC4F, s29;
	s13 =	sshra.s32 s29, $0x1F  }
0x40: {  	s29 =	sshra.s32 s25, $0x1F;
	s17 =	spop (v2sf);
	s0 =	smul.u32 $0x4EC4EC4F, s13  }
0x41: {  	s25 =	sshrl.u32 s22, $0x1F;
	s26 =	smulhi.u32 $0x4EC4EC4F, s31;
	s5 =	spop (v2sf);
	(v2sf) =	vpush v9, $0x0  }
0x42: {  	s24 =	sshra.s32 s31, $0x1F;
	s9 =	sshra.s32 s17, $0x1F;
	s17 =	smulhi.u32 $0x4EC4EC4F, s17;
	(v2sf) =	vpush v9, $0x7  }
0x43: {  	v14 =	vmul.u32 $0x8CD6E1E9, v14;
	v17 =	vmov s25;
	s25 =	sshra.s32 s2, $0x3;
	s24 =	smul.u32 $0x4EC4EC4F, s24;
	s20 =	spop (v2sf)  }
0x44: {  	s4 =	sadd.s32 s0, s21;
	s13 =	smulhi.u32 $0x4EC4EC4F, s20;
	s20 =	sshra.s32 s20, $0x1F;
	(v2sf) =	vpush v9, $0x1  }
0x45: {  	v19 =	vshll.u32 v14, $0x1C;
	v14 =	vshrl.u32 v14, $0x4;
	s21 =	sshra.s32 s14, $0x1F;
	s22 =	sshra.s32 s5, $0x1F;
	s20 =	smul.u32 $0x4EC4EC4F, s20;
	(v2sf) =	vpush v9, $0x2  }
0x46: {  	v14 =	vor.u32 v19, v14;
	s9 =	smul.u32 $0x4EC4EC4F, s9;
	s0 =	sshra.s32 s4, $0x3;
	s24 =	sadd.s32 s24, s26;
	(v2sf) =	vpush v9, $0xB  }
0x47: {  	vm12 =	vcmask $0x1714;
	vm4 =	vgt.u32 v14, $0x28547;
	s4 =	sshrl.u32 s4, $0x1F;
	s20 =	sadd.s32 s20, s13;
	s13 =	sshra.s32 s30, $0x3  }
0x48: {  	v14 =	vmul.u32 $0x8CD6E1E9, v15;
	v18 =	vmov s28;
	s17 =	sadd.s32 s9, s17;
	s9 =	sshra.s32 s8, $0x1F;
	s26 =	sshra.s32 s24, $0x3;
	v16 =	vsel vm9, s13, v16  }
0x49: {  	v20 =	vld [tilespmem:$0x1FFD0];
	v18 =	vnsel vm9, $0x0, v18;
	(v2sf) =	vpush v9, $0x3;
	s30 =	sshra.s32 s8, $0x3;
	s13 =	sshra.s32 s14, $0x3;
	s14 =	sshrl.u32 s14, $0x1F;
	v16 =	vsel vm5, s1, v16  }
0x4a: {  	s8 =	sshrl.u32 s8, $0x1F;
	(v2sf) =	vpush v9, $0x4;
	v18 =	vsel vm0, s14, v18;
	s14 =	smulhi.u32 $0x4EC4EC4F, s5;
	s5 =	sshra.s32 s15, $0x3;
	v16 =	vsel vm0, s13, v16  }
0x4b: {  	(v2sf) =	vpush v9, $0x5;
	s15 =	sshrl.u32 s15, $0x1F;
	s13 =	sshra.s32 s7, $0x3;
	s7 =	sshra.s32 s7, $0x1F;
	v18 =	vsel vm1, s12, v18;
	v16 =	vsel vm8, s21, v16  }
0x4c: {  	(v2sf) =	vpush v9, $0xC;
	s21 =	sshrl.u32 s6, $0x1F;
	v18 =	vsel vm2, s8, v18;
	s8 =	sshra.s32 s20, $0x3;
	v16 =	vsel vm1, s13, v16;
	s13 =	smul.u32 $0x4EC4EC4F, s29  }
0x4d: {  	(v2sf) =	vpush v9, $0x6;
	v18 =	vsel vm6, s21, v18;
	s21 =	smul.u32 $0x4EC4EC4F, s22;
	v16 =	vsel vm12, s7, v16;
	s7 =	sshra.s32 s6, $0x3;
	s6 =	sshra.s32 s6, $0x1F  }
0x4e: {  	v21 =	vmov s3;
	(v2sf) =	vpush v9, $0x8;
	vm12 =	vnez.u8 v20;
	s23 =	sadd.s32 s13, s23;
	s13 =	sshrl.u32 s2, $0x1F;
	s2 =	sshra.s32 s2, $0x1F  }
0x4f: {  	(v2sf) =	vpush v9, $0x9;
	v20 =	vshll.u32 v14, $0x1C;
	v16 =	vsel vm2, s30, v16;
	s14 =	sadd.s32 s21, s14;
	s22 =	sshrl.u32 s23, $0x1F;
	s23 =	sshra.s32 s23, $0x3  }
0x50: {  	v16 =	vsel vm10, s9, v16;
	s9 =	sshrl.u32 s20, $0x1F;
	v18 =	vsel vm7, s13, v18;
	s13 =	sshra.s32 s14, $0x3;
	v15 =	vmov s23;
	s30 =	spop (v2sf)  }
0x51: {  	s14 =	sshrl.u32 s14, $0x1F;
	v16 =	vsel vm6, s7, v16;
	v19 =	vmov s22;
	v15 =	vsel vm0, s0, v15;
	s20 =	spop (v2sf);
	s7 =	smulhi.u32 $0x4EC4EC4F, s30  }
0x52: {  	v14 =	vshrl.u32 v14, $0x4;
	s22 =	sshrl.u32 s24, $0x1F;
	v19 =	vsel vm0, s4, v19;
	v15 =	vsel vm1, s26, v15;
	s26 =	smulhi.u32 $0x4EC4EC4F, s20;
	s4 =	sshra.s32 s20, $0x1F  }
0x53: {  	v21 =	vsel vm0, s13, v21;
	v16 =	vsel vm13, s6, v16;
	s6 =	sshra.s32 s17, $0x3;
	v19 =	vsel vm1, s22, v19;
	s23 =	spop (v2sf);
	s28 =	smul.u32 $0x4EC4EC4F, s4  }
0x54: {  	v14 =	vor.u32 v20, v14;
	s17 =	sshrl.u32 s17, $0x1F;
	v21 =	vsel vm1, s6, v21;
	v19 =	vsel vm2, s15, v19;
	s12 =	spop (v2sf);
	s15 =	smulhi.u32 $0x4EC4EC4F, s23  }
0x55: {  	v17 =	vsel vm0, s14, v17;
	v16 =	vsel vm7, s25, v16;
	s24 =	sshra.s32 s30, $0x1F;
	v20 =	vsel vm2, s8, v21;
	s25 =	spop (v2sf);
	s8 =	smulhi.u32 $0x4EC4EC4F, s12  }
0x56: {  	vm4 =	vmand vm12, vm4;
	v17 =	vsel vm1, s17, v17;
	s17 =	sshra.s32 s18, $0x3;
	v16 =	vsel vm3, s2, v16;
	s30 =	sshra.s32 s23, $0x1F;
	s21 =	smulhi.u32 $0x4EC4EC4F, s25  }
0x57: {  	[sflag:s10] =	ssyncset.done $0x0;
	v22 =	vsel vm4, $0xFFFFFFFF, v1;
	vm4 =	vgt.u32 v14, $0x28547;
	v14 =	vsel vm14, s17, v16;
	v16 =	vld [tilespmem:$0x1FFE0];
	s0 =	sshra.s32 s25, $0x1F;
	s25 =	smul.u32 $0x4EC4EC4F, s30  }
0x58: {  	[sflag:s10] =	ssyncadd.s32 $0xFFFFF300;
	s3 =	spop (v2sf);
	s0 =	smul.u32 $0x4EC4EC4F, s0  }
0x59: {  	v11 =	vmulhi.u32 $0xA151C331, v11;
	s6 =	sshrl.u32 s18, $0x1F;
	v17 =	vsel vm2, s9, v17;
	s13 =	sshra.s32 s3, $0x1F;
	s3 =	smulhi.u32 $0x4EC4EC4F, s3  }
0x5a: {  	s10 =	simm.s32 $0x20;
	v18 =	vsel vm14, s6, v18;
	v21 =	vmulhi.u32 $0xA151C331, v12;
	(v2sf) =	vpush v9, $0xA;
	s6 =	spop (v2sf);
	s4 =	smul.u32 $0x4EC4EC4F, s13  }
0x5b: {  	s1 =	sshra.s32 s18, $0x1F;
	v12 =	vsel vm2, s5, v15;
	v15 =	vcombine.low v19, v17;
	(v2sf) =	vpush v9, $0xE;
	s2 =	spop (v2sf);
	s13 =	smul.u32 $0x4EC4EC4F, s24  }
0x5c: {  	v23 =	vld [tilespmem:$0x1FFF0];
	v12 =	vcombine.low v12, v20;
	(v2sf) =	vpush v9, $0xD;
	s14 =	sshra.s32 s6, $0x1F;
	vm12 =	vnez.u8 v16;
	s23 =	sshra.s32 s2, $0x1F;
	s2 =	smulhi.u32 $0x4EC4EC4F, s2  }
0x5d: {  	s20 =	simm.s32 $0x30;
	(v2sf) =	vpush v9, $0xF;
	s18 =	spop (v2sf);
	s14 =	smul.u32 $0x4EC4EC4F, s14;
	vm4 =	vmand vm12, vm4;
	vm12 =	vcmask $0x3734  }
0x5e: {  	s22 =	sshra.s32 s12, $0x1F;
	s9 =	sadd.s32 s28, s26;
	v15 =	vperm.xlane v15, v2;
	v12 =	vperm.xlane v12, v2;
	s26 =	smulhi.u32 $0x4EC4EC4F, s18;
	v14 =	vsel vm12, s1, v14  }
0x5f: {  	s5 =	sadd.s32 s25, s15;
	v16 =	vsel vm11, s19, v18;
	v18 =	vor.u32 s10, v0;
	s24 =	sadd.s32 s13, s7;
	s7 =	smul.u32 $0x4EC4EC4F, s22;
	v14 =	vsel vm11, s16, v14  }
0x60: {  	s15 =	sshra.s32 s9, $0x1F;
	s30 =	sshra.s32 s18, $0x1F;
	v16 =	vperm.xlane v16, v3;
	v20 =	vmul.u32 $0x8CD6E1E9, v18;
	s23 =	smul.u32 $0x4EC4EC4F, s23;
	v14 =	vperm.xlane v14, v3  }
0x61: {  	s0 =	sadd.s32 s0, s21;
	s17 =	spop (v2sf);
	v17 =	vmulhi.u32 $0x10624DD3, v18;
	s25 =	smul.u32 $0x4EC4EC4F, s30;
	v19 =	vsel vm4, $0xFFFFFFFF, v1;
	vm4 =	vnez.u8 v23  }
0x62: {  	v11 =	vshrl.u32 v11, $0xE;
	s3 =	sadd.s32 s4, s3;
	s21 =	sshra.s32 s0, $0x3;
	s19 =	spop (v2sf);
	v15 =	vsel vm4, v16, v15;
	v12 =	vsel vm4, v14, v12  }
0x63: {  	s1 =	smulhi.u32 $0x4EC4EC4F, s17;
	s30 =	sshra.s32 s24, $0x1F;
	v16 =	vshrl.u32 v17, $0x6;
	v24 =	vshll.u32 v20, $0x1C;
	s18 =	sadd.s32 s25, s26;
	v12 =	vadd.s32 v15, v12  }
0x64: {  	s16 =	sshra.s32 s17, $0x1F;
	v20 =	vshrl.u32 v20, $0x4;
	s26 =	sshra.s32 s24, $0x3;
	s13 =	sshrl.u32 s18, $0x1F;
	v14 =	vmov s15;
	v12 =	vmul.u32 $0x1A, v12  }
0x65: {  	s17 =	spop (v2sf);
	s8 =	sadd.s32 s7, s8;
	s25 =	sshra.s32 s9, $0x3;
	v23 =	vmul.u32 $0xFFFFFC18, v16;
	v17 =	vmov s13;
	v14 =	vsel vm9, s26, v14  }
0x66: {  	s16 =	smul.u32 $0x4EC4EC4F, s16;
	[dreg:$0x3] =	wrdreg s25;
	s15 =	sshra.s32 s5, $0x3;
	v15 =	vmov s10;
	v14 =	vsel vm5, s30, v14;
	v12 =	vsub.s32 v10, v12  }
0x67: {  	s13 =	sshrl.u32 s24, $0x1F;
	s26 =	smulhi.u32 $0x4EC4EC4F, s17;
	s17 =	sshra.s32 s17, $0x1F;
	v10 =	vadd.s32 v18, v23;
	vm4 =	vlt.s32 v12, $0x0;
	v18 =	vadd.s32 $0x1A, v12  }
0x68: {  	s10 =	sshra.s32 s5, $0x1F;
	s5 =	sshrl.u32 s5, $0x1F;
	s30 =	smul.u32 $0x4EC4EC4F, s17;
	vm12 =	veq.s32 v15, v0;
	v18 =	vsel vm4, v18, v12;
	vm4 =	vne.s32 v10, $0x0  }
0x69: {  	v11 =	vadd.s32 v19, v11;
	s17 =	sadd.s32 s16, s1;
	v14 =	vsel vm0, s15, v14;
	s15 =	smulhi.u32 $0x4EC4EC4F, s6;
	s22 =	spop (v2sf);
	vm4 =	vmand vm12, vm4  }
0x6a: {  	s6 =	sadd.s32 s23, s2;
	s2 =	sshra.s32 s19, $0x1F;
	v14 =	vsel vm8, s10, v14;
	s12 =	spop (v2sf);
	v12 =	vor.u32 v24, v20;
	v23 =	vsel vm4, $0xFFFFFFFF, v1  }
0x6b: {  	s1 =	sadd.s32 s30, s26;
	s26 =	sshra.s32 s8, $0x3;
	s7 =	spop (v2sf);
	v20 =	vmov s13;
	vm4 =	vgt.u32 v12, $0x28547;
	v12 =	vadd.s32 v23, v16  }
0x6c: {  	s10 =	sshra.s32 s8, $0x1F;
	s2 =	smul.u32 $0x4EC4EC4F, s2;
	v14 =	vsel vm1, s26, v14;
	s25 =	spop (v2sf);
	v19 =	vnsel vm9, $0x0, v20;
	(v2sf) =	vpush v12, $0x0  }
0x6d: {  	s8 =	sshrl.u32 s8, $0x1F;
	s14 =	sadd.s32 s14, s15;
	s15 =	smulhi.u32 $0x4EC4EC4F, s19;
	v19 =	vsel vm0, s5, v19;
	vm4 =	vmand vm12, vm4;
	v16 =	vshrl.u32 v21, $0xE  }
0x6e: {  	s9 =	sshrl.u32 s9, $0x1F;
	s30 =	sshra.s32 s25, $0x1F;
	s23 =	smulhi.u32 $0x4EC4EC4F, s25;
	v19 =	vsel vm1, s8, v19;
	v21 =	vsel vm4, $0xFFFFFFFF, v1;
	v16 =	vadd.s32 v22, v16  }
0x6f: {  	[dreg:$0x4] =	wrdreg s9;
	s28 =	sshra.s32 s6, $0x1F;
	s9 =	smul.u32 $0x4EC4EC4F, s30;
	v22 =	vshll.u32 v13, $0x3;
	vm4 =	vcmask $0x1714;
	v13 =	vand.u32 $0x7F, v13  }
0x70: {  	s16 =	smulhi.u32 $0x4EC4EC4F, s22;
	s22 =	sshra.s32 s22, $0x1F;
	s13 =	sshra.s32 s12, $0x1F;
	v14 =	vsel vm4, s10, v14;
	(v2sf) =	vpush v12, $0x7;
	v20 =	vand.u32 $0x1C00, v22  }
0x71: {  	s12 =	smulhi.u32 $0x4EC4EC4F, s12;
	s9 =	sadd.s32 s9, s23;
	v16 =	vshll.u32 v16, $0xF;
	v22 =	vshll.u32 v18, $0xA;
	s23 =	sshra.s32 s3, $0x3;
	v18 =	vshll.u32 v18, $0x7  }
0x72: {  	s19 =	sshra.s32 s18, $0x3;
	s26 =	sshrl.u32 s0, $0x1F;
	s18 =	smul.u32 $0x4EC4EC4F, s22;
	(v2sf) =	vpush v12, $0x1;
	v22 =	vand.u32 $0xFFFFE000, v22;
	v14 =	vsel vm2, s23, v14  }
0x73: {  	s22 =	sshra.s32 s17, $0x1F;
	s4 =	smul.u32 $0x4EC4EC4F, s13;
	s13 =	sshra.s32 s3, $0x1F;
	v18 =	vand.u32 $0x380, v18;
	(v2sf) =	vpush v12, $0x2;
	v16 =	vadd.s32 v16, v22  }
0x74: {  	[dreg:$0x5] =	wrdreg s22;
	s22 =	sshra.s32 s1, $0x3;
	s2 =	sadd.s32 s2, s15;
	v14 =	vsel vm10, s13, v14;
	(v2sf) =	vpush v12, $0xB;
	v16 =	vor.u32 v20, v16  }
0x75: {  	s15 =	sshra.s32 s14, $0x3;
	s31 =	smulhi.u32 $0x4EC4EC4F, s7;
	s3 =	sshrl.u32 s3, $0x1F;
	v20 =	vmulhi.u32 $0xA151C331, v15;
	(v2sf) =	vpush v12, $0x3;
	v15 =	vor.u32 v18, v16  }
0x76: {  	s1 =	sshrl.u32 s1, $0x1F;
	s5 =	sshra.s32 s7, $0x1F;
	s25 =	sshrl.u32 s14, $0x1F;
	v16 =	vsel vm2, s3, v19;
	(v2sf) =	vpush v12, $0x4;
	v15 =	vor.u32 v13, v15  }
0x77: {  	s8 =	sadd.s32 s18, s16;
	s12 =	sadd.s32 s4, s12;
	s16 =	sshrl.u32 s6, $0x1F;
	v18 =	vsel vm6, s15, v14;
	v16 =	vsel vm6, s25, v16;
	(v2sf) =	vpush v12, $0x5  }
0x78: {  	s4 =	smul.u32 $0x4EC4EC4F, s5;
	s18 =	sshra.s32 s14, $0x1F;
	s23 =	sshrl.u32 s2, $0x1F;
	v13 =	vshll.u32 v8, $0x3;
	v14 =	vshrl.u32 v20, $0xE;
	(v2sf) =	vpush v12, $0xC  }
0x79: {  	s29 =	sshra.s32 s12, $0x3;
	s0 =	sshrl.u32 s12, $0x1F;
	s5 =	sshrl.u32 s8, $0x1F;
	v18 =	vsel vm13, s18, v18;
	v20 =	vmov s23;
	(v2sf) =	vpush v12, $0x6  }
0x7a: {  	s10 =	sshra.s32 s6, $0x3;
	s6 =	sshra.s32 s2, $0x3;
	s24 =	sshra.s32 s9, $0x3;
	v14 =	vadd.s32 v21, v14;
	v19 =	vsel vm7, s16, v16;
	(v2sf) =	vpush v12, $0x8  }
0x7b: {  	s3 =	sshra.s32 s8, $0x3;
	s25 =	sshrl.u32 s9, $0x1F;
	v16 =	vshll.u32 v10, $0x3;
	v18 =	vsel vm7, s10, v18;
	(v2sf) =	vpush v12, $0x9;
	[tilespmem:v15+s11+$0x0] =	vst.idx.msk $0xffff, v4;
	s7 =	spop (v2sf)  }
.LBB2_2:
0x7c: {  	_ = 	snop  }
0x7d: {  	s30 =	smulhi.u32 $0x4EC4EC4F, s7  }
0x7e: {  	v21 =	vmov s6;
	s6 =	smov.u32 s20;
	s10 =	sshra.s32 s17, $0x3;
	s9 =	sadd.s32 s4, s31  }
0x7f: {  	p0 =	sne.s32 s20, $0x6580;
	s4 =	sshra.s32 s7, $0x1F;
	v21 =	vsel vm0, s22, v21;
	s12 =	sshra.s32 s9, $0x3  }
0x80: {  	s9 =	sshrl.u32 s9, $0x1F;
	v21 =	vsel vm1, s3, v21;
	s4 =	smul.u32 $0x4EC4EC4F, s4;
	s2 =	spop (v2sf)  }
0x81: {  	v21 =	vsel vm2, s21, v21;
	s21 =	rddreg [dreg:$0x3];
	s23 =	sshra.s32 s2, $0x1F;
	s13 =	smulhi.u32 $0x4EC4EC4F, s2  }
0x82: {  	s4 =	sadd.s32 s4, s30;
	s11 =	spop (v2sf);
	s18 =	smul.u32 $0x4EC4EC4F, s23  }
0x83: {  	v22 =	vmov s19;
	s2 =	sshrl.u32 s17, $0x1F;
	s14 =	spop (v2sf);
	s17 =	smulhi.u32 $0x4EC4EC4F, s11  }
0x84: {  	(v2sf) =	vpush v12, $0xA;
	v22 =	vsel vm0, s12, v22;
	s8 =	sshra.s32 s11, $0x1F;
	s23 =	sadd.s32 $0x10, s20;
	s12 =	smulhi.u32 $0x4EC4EC4F, s14  }
0x85: {  	v20 =	vsel vm0, s1, v20;
	v18 =	vsel vm3, s28, v18;
	vm4 =	vcmask $0x3734;
	s3 =	sshra.s32 s14, $0x1F;
	s15 =	spop (v2sf);
	s8 =	smul.u32 $0x4EC4EC4F, s8  }
0x86: {  	vm12 =	vmmov vm5;
	vm5 =	vmmov vm8;
	v22 =	vsel vm1, s29, v22;
	s16 =	sshra.s32 s15, $0x1F;
	s22 =	spop (v2sf);
	s29 =	smulhi.u32 $0x4EC4EC4F, s15  }
0x87: {  	v20 =	vsel vm1, s5, v20;
	v18 =	vsel vm14, s10, v18;
	v17 =	vsel vm0, s9, v17;
	s5 =	sadd.s32 s18, s13;
	s15 =	rddreg [dreg:$0x5];
	s3 =	smul.u32 $0x4EC4EC4F, s3  }
0x88: {  	v20 =	vsel vm2, s26, v20;
	v17 =	vsel vm1, s0, v17;
	(v2sf) =	vpush v12, $0xE;
	s1 =	sshra.s32 s22, $0x1F;
	s31 =	spop (v2sf);
	s26 =	smul.u32 $0x4EC4EC4F, s16  }
0x89: {  	v17 =	vsel vm2, s25, v17;
	v22 =	vsel vm2, s24, v22;
	(v2sf) =	vpush v12, $0xD;
	s16 =	rddreg [dreg:$0x4];
	s10 =	sshra.s32 s5, $0x1F;
	s14 =	sshra.s32 s5, $0x3  }
0x8a: {  	v23 =	vld [tilespmem:$0x1FFF0];
	v19 =	vsel vm14, s2, v19;
	v17 =	vcombine.low v20, v17;
	v18 =	vsel vm4, s15, v18;
	s15 =	simm.s32 $0x8D00;
	s5 =	sshrl.u32 s5, $0x1F;
	s9 =	spop (v2sf)  }
0x8b: {  	v20 =	vcombine.low v21, v22;
	v21 =	vor.u32 s6, v0;
	(v2sf) =	vpush v12, $0xF;
	s8 =	sadd.s32 s8, s17;
	s0 =	smul.u32 $0x4EC4EC4F, s1;
	[dreg:$0x3] =	wrdreg s14  }
0x8c: {  	vm14 =	vmmov vm7;
	v22 =	vmulhi.u32 $0x10624DD3, v21;
	v17 =	vperm.xlane v17, v2;
	s25 =	spop (v2sf);
	s2 =	sshra.s32 s9, $0x1F;
	s9 =	smulhi.u32 $0x4EC4EC4F, s9  }
0x8d: {  	v20 =	vperm.xlane v20, v2;
	s19 =	sshra.s32 s31, $0x1F;
	v19 =	vsel vm11, s16, v19;
	v18 =	vsel vm11, s21, v18;
	[tilespmem:v15+s15+$0x0] =	vst.idx.msk $0xffff, v4;
	[dreg:$0x4] =	wrdreg s5;
	s15 =	smulhi.u32 $0x4EC4EC4F, s25  }
0x8e: {  	vm7 =	vmmov vm10;
	s21 =	sadd.s32 s3, s12;
	v19 =	vperm.xlane v19, v3;
	v15 =	vperm.xlane v18, v3;
	s11 =	spop (v2sf);
	s2 =	smul.u32 $0x4EC4EC4F, s2  }
0x8f: {  	vm4 =	vnez.u8 v23;
	v23 =	vshll.u32 v11, $0xF;
	v18 =	vmul.u32 $0x8CD6E1E9, v21;
	s13 =	sshra.s32 s25, $0x1F;
	s24 =	sshra.s32 s11, $0x1F;
	s11 =	smulhi.u32 $0x4EC4EC4F, s11  }
0x90: {  	v11 =	vmovc v14;
	v14 =	vmov s6;
	s14 =	sshra.s32 s8, $0x1F;
	s18 =	spop (v2sf);
	v17 =	vsel vm4, v19, v17;
	v19 =	vsel vm4, v15, v20;
	s13 =	smul.u32 $0x4EC4EC4F, s13  }
0x91: {  	s5 =	sshrl.u32 s21, $0x1F;
	v15 =	vand.u32 $0x7F, v8;
	v20 =	vand.u32 $0x1C00, v13;
	v8 =	vmovc v10;
	v10 =	vshll.u32 v18, $0x1C;
	s7 =	spop (v2sf);
	s16 =	smul.u32 $0x4EC4EC4F, s24  }
0x92: {  	v13 =	vmovc v16;
	v16 =	vshrl.u32 v22, $0x6;
	v18 =	vshrl.u32 v18, $0x4;
	vm4 =	veq.s32 v14, v0;
	s20 =	sshra.s32 s18, $0x1F;
	s1 =	smulhi.u32 $0x4EC4EC4F, s18;
	s9 =	sadd.s32 s2, s9  }
0x93: {  	v14 =	vmulhi.u32 $0xA151C331, v14;
	v17 =	vadd.s32 v17, v19;
	v19 =	vmul.u32 $0xFFFFFC18, v16;
	s12 =	spop (v2sf);
	s18 =	sadd.s32 s13, s15;
	s2 =	sshra.s32 s9, $0x3  }
0x94: {  	vm11 =	vmmov vm6;
	v18 =	vor.u32 v10, v18;
	v17 =	vmul.u32 $0x1A, v17;
	s20 =	smul.u32 $0x4EC4EC4F, s20;
	s24 =	sshra.s32 s12, $0x1F;
	s17 =	sadd.s32 s16, s11  }
0x95: {  	v22 =	vmov s10;
	vm10 =	vgt.u32 v18, $0x28547;
	v10 =	vadd.s32 v21, v19;
	s15 =	sshrl.u32 s18, $0x1F;
	s16 =	smul.u32 $0x4EC4EC4F, s19;
	s19 =	sshra.s32 s18, $0x3  }
0x96: {  	v14 =	vshrl.u32 v14, $0xE;
	s11 =	smulhi.u32 $0x4EC4EC4F, s7;
	s7 =	sshra.s32 s7, $0x1F;
	v17 =	vsub.s32 v9, v17;
	vm6 =	vne.s32 v10, $0x0;
	s30 =	sshra.s32 s17, $0x1F  }
0x97: {  	s18 =	sshra.s32 s4, $0x3;
	v9 =	vmovc v12;
	s7 =	smul.u32 $0x4EC4EC4F, s7;
	vm8 =	vlt.s32 v17, $0x0;
	vm6 =	vmand vm4, vm6;
	v12 =	vadd.s32 $0x1A, v17;
	[dreg:$0x5] =	wrdreg s30  }
0x98: {  	s1 =	sadd.s32 s20, s1;
	vm4 =	vmand vm4, vm10;
	vm10 =	vmmov vm7;
	s30 =	smulhi.u32 $0x4EC4EC4F, s12;
	v18 =	vsel vm6, $0xFFFFFFFF, v1;
	s25 =	spop (v2sf)  }
0x99: {  	s12 =	sshra.s32 s4, $0x1F;
	v19 =	vsel vm8, v12, v17;
	v17 =	vsel vm9, s18, v22;
	s18 =	sshra.s32 s8, $0x3;
	v12 =	vadd.s32 v18, v16;
	s28 =	spop (v2sf)  }
0x9a: {  	vm7 =	vmmov vm14;
	s7 =	sadd.s32 s7, s11;
	s11 =	smulhi.u32 $0x4EC4EC4F, s31;
	v17 =	vsel vm12, s12, v17;
	s10 =	spop (v2sf);
	(v2sf) =	vpush v12, $0x0  }
0x9b: {  	vm14 =	vcmask $0x3330;
	s4 =	sshrl.u32 s4, $0x1F;
	vm6 =	vmmov vm11;
	s8 =	sshrl.u32 s8, $0x1F;
	v18 =	vsel vm0, s18, v17;
	s18 =	smulhi.u32 $0x4EC4EC4F, s22  }
0x9c: {  	vm11 =	vcmask $0x3B38;
	vm8 =	vmmov vm5;
	v22 =	vmov s4;
	s4 =	sshra.s32 s21, $0x1F;
	s11 =	sadd.s32 s16, s11;
	s16 =	smul.u32 $0x4EC4EC4F, s24  }
0x9d: {  	v16 =	vshll.u32 v19, $0xA;
	s12 =	sshra.s32 s21, $0x3;
	v22 =	vnsel vm9, $0x0, v22;
	s3 =	sshra.s32 s25, $0x1F;
	v18 =	vsel vm8, s14, v18;
	s14 =	smulhi.u32 $0x4EC4EC4F, s25  }
0x9e: {  	v16 =	vand.u32 $0xFFFFE000, v16;
	v17 =	vmov s15;
	s22 =	sshra.s32 s7, $0x3;
	v22 =	vsel vm0, s8, v22;
	s15 =	sshrl.u32 s9, $0x1F;
	s31 =	smulhi.u32 $0x4EC4EC4F, s28  }
0x9f: {  	s6 =	sshra.s32 s28, $0x1F;
	s8 =	sshra.s32 s11, $0x3;
	v16 =	vadd.s32 v23, v16;
	v22 =	vsel vm1, s5, v22;
	s3 =	smul.u32 $0x4EC4EC4F, s3;
	(v2sf) =	vpush v12, $0x7  }
0xa0: {  	s28 =	sshra.s32 s9, $0x1F;
	s20 =	sshra.s32 s11, $0x1F;
	v18 =	vsel vm1, s12, v18;
	s0 =	sadd.s32 s0, s18;
	v20 =	vor.u32 v20, v16;
	(v2sf) =	vpush v12, $0x1  }
0xa1: {  	v16 =	vshll.u32 v19, $0x7;
	s13 =	sshra.s32 s10, $0x1F;
	s10 =	smulhi.u32 $0x4EC4EC4F, s10;
	v18 =	vsel vm15, s4, v18;
	s5 =	sshra.s32 s0, $0x3;
	(v2sf) =	vpush v12, $0x2  }
0xa2: {  	s12 =	sshrl.u32 s11, $0x1F;
	v19 =	vand.u32 $0x380, v16;
	s18 =	sshra.s32 s0, $0x1F;
	s13 =	smul.u32 $0x4EC4EC4F, s13;
	v18 =	vsel vm2, s5, v18;
	(v2sf) =	vpush v12, $0xB  }
0xa3: {  	s14 =	sadd.s32 s3, s14;
	s0 =	sshrl.u32 s0, $0x1F;
	v19 =	vor.u32 v19, v20;
	v18 =	vsel vm10, s18, v18;
	s18 =	sshrl.u32 s1, $0x1F;
	(v2sf) =	vpush v12, $0x3  }
0xa4: {  	v15 =	vor.u32 v15, v19;
	v19 =	vsel vm2, s0, v22;
	s0 =	sshrl.u32 s14, $0x1F;
	s4 =	sadd.s32 s13, s10;
	s13 =	sadd.s32 s26, s29;
	(v2sf) =	vpush v12, $0x4  }
.Ltmp0:
0xa5: {  	v21 =	vsel vm4, $0xFFFFFFFF, v1;
	vm5 =	vmmov vm12;
	s29 =	sshra.s32 s14, $0x3;
	s21 =	sshra.s32 s13, $0x3;
	(v2sf) =	vpush v12, $0x5;
	(pc) =	sbr.rel @p0 .LBB2_2-.Ltmp0, $4  }
0xa6: {  	v14 =	vadd.s32 v21, v14;
	v16 =	vshll.u32 v10, $0x3;
	s26 =	sshrl.u32 s13, $0x1F;
	s25 =	sshrl.u32 s4, $0x1F;
	s24 =	sshra.s32 s4, $0x3;
	(v2sf) =	vpush v12, $0xC  }
0xa7: {  	v18 =	vsel vm6, s8, v18;
	v19 =	vsel vm6, s12, v19;
	s4 =	smul.u32 $0x4EC4EC4F, s6;
	s13 =	sadd.s32 s16, s30;
	s6 =	sshra.s32 s1, $0x3;
	(v2sf) =	vpush v12, $0x6  }
0xa8: {  	v20 =	vmov s18;
	s1 =	sshrl.u32 s7, $0x1F;
	v18 =	vsel vm13, s20, v18;
	s30 =	simm.s32 $0xD00;
	s20 =	smov.u32 s23;
	(v2sf) =	vpush v12, $0x8  }
0xa9: {  	v19 =	vsel vm7, s15, v19;
	s3 =	sshra.s32 s13, $0x3;
	s5 =	sshrl.u32 s13, $0x1F;
	v18 =	vsel vm7, s2, v18;
	[tilespmem:v15+s30+$0x0] =	vst.idx.msk $0xffff, v4;
	(v2sf) =	vpush v12, $0x9;
	s7 =	spop (v2sf)  }
0xaa: {  	_ =	sdelay $0x3  }
0xab: {  	s2 =	spop (v2sf)  }
0xac: {  	s11 =	smulhi.u32 $0x4EC4EC4F, s2;
	s2 =	sshra.s32 s2, $0x1F  }
0xad: {  	s8 =	spop (v2sf);
	s2 =	smul.u32 $0x4EC4EC4F, s2  }
0xae: {  	s9 =	spop (v2sf);
	s15 =	smulhi.u32 $0x4EC4EC4F, s8  }
0xaf: {  	s10 =	spop (v2sf);
	s13 =	smulhi.u32 $0x4EC4EC4F, s9  }
0xb0: {  	[dreg:$0x12] =	wrdreg s11;
	s30 =	smulhi.u32 $0x4EC4EC4F, s10  }
0xb1: {  	[dreg:$0x13] =	wrdreg s2;
	s23 =	spop (v2sf)  }
0xb2: {  	s10 =	sshra.s32 s10, $0x1F;
	[dreg:$0x15] =	wrdreg s15;
	s15 =	smulhi.u32 $0x4EC4EC4F, s7  }
0xb3: {  	(v2sf) =	vpush v12, $0xA;
	s12 =	smul.u32 $0x4EC4EC4F, s10;
	[dreg:$0x14] =	wrdreg s13  }
0xb4: {  	s16 =	spop (v2sf);
	[dreg:$0xe] =	wrdreg s30  }
0xb5: {  	(v2sf) =	vpush v12, $0xE;
	[dreg:$0xf] =	wrdreg s12;
	s12 =	sshra.s32 s23, $0x1F;
	s23 =	smulhi.u32 $0x4EC4EC4F, s23  }
0xb6: {  	s14 =	smul.u32 $0x4EC4EC4F, s12;
	s12 =	spop (v2sf)  }
0xb7: {  	(v2sf) =	vpush v12, $0xD;
	s9 =	sshra.s32 s9, $0x1F;
	s20 =	spop (v2sf);
	s13 =	smulhi.u32 $0x4EC4EC4F, s12  }
0xb8: {  	[dreg:$0x11] =	wrdreg s14;
	s14 =	smul.u32 $0x4EC4EC4F, s9  }
0xb9: {  	s30 =	spop (v2sf);
	s11 =	smulhi.u32 $0x4EC4EC4F, s20  }
0xba: {  	v21 =	vmov s6;
	[dreg:$0x1c] =	wrdreg s15;
	s10 =	sshra.s32 s20, $0x1F;
	s18 =	smulhi.u32 $0x4EC4EC4F, s30  }
0xbb: {  	v21 =	vsel vm0, s22, v21;
	s22 =	sshrl.u32 s17, $0x1F;
	s2 =	smul.u32 $0x4EC4EC4F, s10;
	[dreg:$0x16] =	wrdreg s13  }
0xbc: {  	(v2sf) =	vpush v12, $0xF;
	s20 =	sshra.s32 s7, $0x1F;
	s13 =	spop (v2sf);
	s10 =	rddreg [dreg:$0x12]  }
0xbd: {  	s30 =	sshra.s32 s30, $0x1F;
	s20 =	smul.u32 $0x4EC4EC4F, s20;
	[dreg:$0x19] =	wrdreg s11  }
0xbe: {  	s12 =	sshra.s32 s12, $0x1F;
	s9 =	smul.u32 $0x4EC4EC4F, s30;
	[dreg:$0x17] =	wrdreg s18  }
0xbf: {  	s8 =	sshra.s32 s8, $0x1F;
	s30 =	smul.u32 $0x4EC4EC4F, s12;
	[dreg:$0x1b] =	wrdreg s2  }
0xc0: {  	s7 =	sadd.s32 s4, s31;
	s18 =	smul.u32 $0x4EC4EC4F, s8;
	[dreg:$0x18] =	wrdreg s9  }
0xc1: {  	v21 =	vsel vm1, s3, v21;
	s3 =	sshra.s32 s13, $0x1F;
	[dreg:$0x1a] =	wrdreg s30;
	s9 =	spop (v2sf)  }
0xc2: {  	s8 =	sshra.s32 s16, $0x1F;
	s30 =	rddreg [dreg:$0x13];
	s11 =	spop (v2sf)  }
0xc3: {  	s12 =	smulhi.u32 $0x4EC4EC4F, s9;
	s2 =	sshra.s32 s9, $0x1F;
	s9 =	rddreg [dreg:$0x14]  }
0xc4: {  	s10 =	sadd.s32 s30, s10;
	s30 =	rddreg [dreg:$0x15];
	s15 =	spop (v2sf)  }
0xc5: {  	s14 =	sadd.s32 s14, s9;
	s9 =	smulhi.u32 $0x4EC4EC4F, s16;
	s16 =	rddreg [dreg:$0x17]  }
0xc6: {  	s18 =	sadd.s32 s18, s30;
	s30 =	rddreg [dreg:$0x18];
	s4 =	spop (v2sf)  }
0xc7: {  	s17 =	sshra.s32 s17, $0x3;
	s3 =	smul.u32 $0x4EC4EC4F, s3;
	[dreg:$0x10] =	wrdreg s4  }
0xc8: {  	s31 =	smul.u32 $0x4EC4EC4F, s8;
	s4 =	sadd.s32 s30, s16;
	s16 =	rddreg [dreg:$0x19]  }
0xc9: {  	v20 =	vsel vm0, s1, v20;
	s8 =	smul.u32 $0x4EC4EC4F, s2;
	s1 =	sshra.s32 s11, $0x1F;
	s30 =	rddreg [dreg:$0x1b]  }
0xca: {  	s1 =	smul.u32 $0x4EC4EC4F, s1;
	s9 =	sadd.s32 s31, s9;
	s31 =	rddreg [dreg:$0x11]  }
0xcb: {  	v22 =	vmov s19;
	s19 =	smov.u32 s10;
	s2 =	spop (v2sf);
	[dreg:$0xd] =	wrdreg s4  }
0xcc: {  	s16 =	sadd.s32 s30, s16;
	s30 =	rddreg [dreg:$0x1c];
	s4 =	smulhi.u32 $0x4EC4EC4F, s2  }
0xcd: {  	s2 =	sshra.s32 s2, $0x1F;
	s30 =	sadd.s32 s20, s30;
	s20 =	rddreg [dreg:$0x1a]  }
0xce: {  	s8 =	sadd.s32 s8, s12;
	s12 =	smul.u32 $0x4EC4EC4F, s2;
	s2 =	rddreg [dreg:$0x16]  }
0xcf: {  	s20 =	sadd.s32 s20, s2;
	s2 =	sadd.s32 s31, s23;
	s23 =	rddreg [dreg:$0xe]  }
0xd0: {  	v18 =	vsel vm3, s28, v18;
	v19 =	vsel vm14, s22, v19;
	s22 =	sshra.s32 s18, $0x1F;
	s28 =	sshra.s32 s14, $0x3;
	s31 =	rddreg [dreg:$0xf]  }
0xd1: {  	v20 =	vsel vm1, s5, v20;
	v21 =	vsel vm2, s21, v21;
	s21 =	sshra.s32 s9, $0x3;
	s6 =	sadd.s32 s31, s23;
	s23 =	sshra.s32 s7, $0x3  }
0xd2: {  	vm4 =	vcmask $0x1714;
	v20 =	vsel vm2, s26, v20;
	s7 =	sshrl.u32 s7, $0x1F;
	s31 =	sshra.s32 s10, $0x1F;
	v22 =	vsel vm0, s23, v22;
	s23 =	smulhi.u32 $0x4EC4EC4F, s13  }
0xd3: {  	v18 =	vsel vm14, s17, v18;
	s10 =	sshrl.u32 s30, $0x1F;
	v17 =	vsel vm0, s7, v17;
	v23 =	vmov s31;
	s7 =	smulhi.u32 $0x4EC4EC4F, s11;
	s13 =	sshra.s32 s30, $0x3  }
0xd4: {  	s11 =	smulhi.u32 $0x4EC4EC4F, s15;
	s31 =	sshra.s32 s30, $0x1F;
	v24 =	vmov s10;
	v22 =	vsel vm1, s29, v22;
	v23 =	vsel vm9, s13, v23;
	s29 =	sshra.s32 s15, $0x1F  }
0xd5: {  	s17 =	sshra.s32 s2, $0x1F;
	v17 =	vsel vm1, s0, v17;
	s13 =	sshra.s32 s18, $0x3;
	v24 =	vnsel vm9, $0x0, v24;
	v23 =	vsel vm5, s31, v23;
	s5 =	smul.u32 $0x4EC4EC4F, s29  }
0xd6: {  	v17 =	vsel vm2, s25, v17;
	v22 =	vsel vm2, s24, v22;
	s29 =	sshrl.u32 s16, $0x1F;
	s31 =	sshrl.u32 s18, $0x1F;
	s18 =	rddreg [dreg:$0x4];
	v23 =	vsel vm0, s13, v23  }
0xd7: {  	s30 =	sshra.s32 s14, $0x1F;
	s16 =	sshra.s32 s16, $0x3;
	s3 =	sadd.s32 s3, s23;
	v24 =	vsel vm0, s31, v24;
	v19 =	vsel vm11, s18, v19;
	v25 =	vmov s29  }
0xd8: {  	s10 =	sshra.s32 s2, $0x3;
	s15 =	sshrl.u32 s14, $0x1F;
	s29 =	sshrl.u32 s3, $0x1F;
	v28 =	vmov s16;
	v17 =	vcombine.low v20, v17;
	v45 =	vcombine.low v21, v22  }
0xd9: {  	s2 =	sshrl.u32 s2, $0x1F;
	s25 =	rddreg [dreg:$0x10];
	s3 =	sshra.s32 s3, $0x3;
	v23 =	vsel vm8, s22, v23;
	v24 =	vsel vm1, s15, v24;
	v26 =	vmov s29  }
0xda: {  	s26 =	sshra.s32 s25, $0x1F;
	s23 =	smulhi.u32 $0x4EC4EC4F, s25;
	s31 =	sshra.s32 s8, $0x3;
	v27 =	vmov s3;
	v19 =	vperm.xlane v19, v3;
	v23 =	vsel vm1, s28, v23  }
0xdb: {  	s14 =	rddreg [dreg:$0x5];
	s1 =	sadd.s32 s1, s7;
	s26 =	smul.u32 $0x4EC4EC4F, s26;
	v24 =	vsel vm2, s2, v24;
	v27 =	vsel vm0, s31, v27;
	v17 =	vperm.xlane v17, v2  }
0xdc: {  	s25 =	sshrl.u32 s9, $0x1F;
	s5 =	sadd.s32 s5, s11;
	s11 =	sshra.s32 s1, $0x3;
	v20 =	vperm.xlane v45, v2;
	v23 =	vsel vm4, s30, v23;
	vm4 =	vcmask $0x3734  }
0xdd: {  	s22 =	sshra.s32 s6, $0x3;
	s28 =	sshrl.u32 s20, $0x1F;
	v24 =	vsel vm6, s25, v24;
	s30 =	sadd.s32 s26, s23;
	v27 =	vsel vm1, s11, v27;
	v18 =	vsel vm4, s14, v18  }
0xde: {  	s4 =	sadd.s32 s12, s4;
	s24 =	rddreg [dreg:$0x3];
	v23 =	vsel vm2, s10, v23;
	v24 =	vsel vm7, s28, v24;
	s12 =	sshrl.u32 s30, $0x1F;
	v46 =	vsel vm2, s22, v27  }
0xdf: {  	s9 =	sshra.s32 s9, $0x1F;
	s10 =	sshrl.u32 s8, $0x1F;
	s0 =	sshra.s32 s30, $0x3;
	v23 =	vsel vm10, s17, v23;
	v18 =	vsel vm11, s24, v18;
	v25 =	vsel vm0, s12, v25  }
0xe0: {  	s1 =	sshrl.u32 s1, $0x1F;
	s13 =	sshrl.u32 s5, $0x1F;
	s16 =	sshra.s32 s5, $0x3;
	v26 =	vsel vm0, s10, v26;
	v28 =	vsel vm0, s0, v28;
	v23 =	vsel vm6, s21, v23  }
0xe1: {  	s18 =	sshra.s32 s20, $0x1F;
	s15 =	sshrl.u32 s4, $0x1F;
	s14 =	sshrl.u32 s6, $0x1F;
	v26 =	vsel vm1, s1, v26;
	v25 =	vsel vm1, s13, v25;
	v28 =	vsel vm1, s16, v28  }
0xe2: {  	v49 =	vld [tilespmem:$0x1FFF0];
	s17 =	sshra.s32 s4, $0x3;
	v23 =	vsel vm13, s9, v23;
	s9 =	sshra.s32 s20, $0x3;
	v26 =	vsel vm2, s14, v26;
	v25 =	vsel vm2, s15, v25;
	s20 =	rddreg [dreg:$0xd]  }
0xe3: {  	v28 =	vsel vm2, s17, v28;
	v23 =	vsel vm7, s9, v23;
	s21 =	sshrl.u32 s20, $0x1F;
	v48 =	vcombine.low v26, v25  }
0xe4: {  	s25 =	sshrl.u32 s19, $0x1F;
	s23 =	sshra.s32 s20, $0x3;
	v21 =	vcombine.low v46, v28;
	v24 =	vsel vm14, s21, v24;
	v23 =	vsel vm3, s18, v23  }
0xe5: {  	v18 =	vperm.xlane v18, v3;
	s24 =	sshra.s32 s20, $0x1F;
	v47 =	vsel vm14, s23, v23;
	v24 =	vsel vm11, s25, v24  }
0xe6: {  	s26 =	sshra.s32 s19, $0x3;
	v23 =	vperm.xlane v48, v2;
	v21 =	vperm.xlane v21, v2;
	v22 =	vsel vm4, s24, v47  }
0xe7: {  	v24 =	vperm.xlane v24, v3;
	vm4 =	vnez.u8 v49;
	v22 =	vsel vm11, s26, v22  }
0xe8: {  	v17 =	vsel vm4, v19, v17;
	v18 =	vsel vm4, v18, v20;
	v22 =	vperm.xlane v22, v3  }
0xe9: {  	v17 =	vadd.s32 v17, v18  }
0xea: {  	v50 =	vsel vm4, v24, v23;
	v17 =	vmul.u32 $0x1A, v17;
	v51 =	vsel vm4, v22, v21  }
0xeb: {  	v8 =	vand.u32 $0x7F, v8;
	v18 =	vadd.s32 v50, v51  }
0xec: {  	v11 =	vshll.u32 v11, $0xF;
	v9 =	vsub.s32 v9, v17;
	v18 =	vmul.u32 $0x1A, v18  }
0xed: {  	v13 =	vand.u32 $0x1C00, v13;
	vm4 =	vlt.s32 v9, $0x0;
	v17 =	vadd.s32 $0x1A, v9  }
0xee: {  	v56 =	vshll.u32 v14, $0xF;
	v9 =	vsel vm4, v17, v9;
	v52 =	vsub.s32 v12, v18  }
0xef: {  	v54 =	vshll.u32 v9, $0xA;
	vm4 =	vlt.s32 v52, $0x0;
	v53 =	vadd.s32 $0x1A, v52  }
0xf0: {  	v57 =	vand.u32 $0x1C00, v16;
	v17 =	vand.u32 $0xFFFFE000, v54;
	v12 =	vsel vm4, v53, v52  }
0xf1: {  	v9 =	vshll.u32 v9, $0x7;
	v11 =	vadd.s32 v11, v17;
	v55 =	vshll.u32 v12, $0xA  }
0xf2: {  	v9 =	vand.u32 $0x380, v9;
	v11 =	vor.u32 v13, v11;
	v13 =	vand.u32 $0xFFFFE000, v55  }
0xf3: {  	v12 =	vshll.u32 v12, $0x7;
	v9 =	vor.u32 v9, v11;
	v11 =	vadd.s32 v56, v13  }
0xf4: {  	v59 =	vand.u32 $0x380, v12;
	v8 =	vor.u32 v8, v9;
	v58 =	vor.u32 v57, v11  }
0xf5: {  	v10 =	vand.u32 $0x7F, v10;
	v9 =	vor.u32 v59, v58  }
0xf6: {  	v9 =	vor.u32 v10, v9  }
0xf7: {  	s28 =	simm.s32 $0x8D00  }
0xf8: {  	s29 =	simm.s32 $0xD00;
	[tilespmem:v15+s28+$0x0] =	vst.idx.msk $0xffff, v4  }
0xf9: {  	[tilespmem:v8+s29+$0x0] =	vst.idx.msk $0xffff, v4  }
0xfa: {  	[tilespmem:v8+s28+$0x0] =	vst.idx.msk $0xffff, v4  }
0xfb: {  	[tilespmem:v9+s29+$0x0] =	vst.idx.msk $0xffff, v4  }
0xfc: {  	[tilespmem:v9+s28+$0x0] =	vst.idx.msk $0xffff, v4  }
0xfd: {  	v8 =	vld [tilespmem:$0x0];
	_ =	sdelay $0x4  }
0xfe: {  	v60 =	vshll.u32 v8, $0x3  }
0xff: {  	v8 =	vand.u32 $0x7F, v8;
	v9 =	vand.u32 $0xFFFFFC00, v60  }
0x100: {  	v8 =	vor.u32 v8, v9  }
0x101: {  	v8 =	vadd.s32 v5, v8;
	_ =	sdelay $0x4  }
0x102: {  	[tilespmem:v8+s29+$0x0] =	vst.idx.msk $0xffff, v6  }
0x103: {  	v8 =	vld [tilespmem:$0x10];
	_ =	sdelay $0x4  }
0x104: {  	v61 =	vshll.u32 v8, $0x3  }
0x105: {  	v8 =	vand.u32 $0x7F, v8;
	v9 =	vand.u32 $0xFFFFFC00, v61  }
0x106: {  	v8 =	vor.u32 v8, v9  }
0x107: {  	v8 =	vadd.s32 v7, v8;
	_ =	sdelay $0x4  }
0x108: {  	s30 =	rddreg [dreg:$0x6];
	s0 =	simm.s32 $0x0;
	[tilespmem:v8+s29+$0x0] =	vst.idx.msk $0x3ff, v6  }
0x109: {  	[hbm4b:s30+s0] =	stream.linear.scatter [tilespmem:s29], [sflag:$0x1], $0x8000, $0x38;
	[tilespmem:$0x10D00] =	vst v63  }
0x10a: {  	v8 =	vld [tilespmem:$0x1A];
	_ =	sdelay $0x4  }
0x10b: {  	v62 =	vshll.u32 v8, $0x3  }
0x10c: {  	v8 =	vand.u32 $0x7F, v8;
	v9 =	vand.u32 $0xFFFFFC00, v62  }
0x10d: {  	v8 =	vor.u32 v8, v9  }
0x10e: {  	v8 =	vadd.s32 v5, v8;
	_ =	sdelay $0x4  }
0x10f: {  	[tilespmem:v8+s28+$0x0] =	vst.idx.msk $0xffff, v6  }
0x110: {  	v8 =	vld [tilespmem:$0x2A];
	_ =	sdelay $0x4  }
0x111: {  	v63 =	vshll.u32 v8, $0x3  }
0x112: {  	v8 =	vand.u32 $0x7F, v8;
	v9 =	vand.u32 $0xFFFFFC00, v63  }
0x113: {  	v8 =	vor.u32 v8, v9  }
0x114: {  	v8 =	vadd.s32 v7, v8;
	_ =	sdelay $0x1  }
0x115: {  	s3 =	rddreg [dreg:$0xa]  }
0x116: {  	s7 =	simm.s32 $0x2;
	s31 =	rddreg [dreg:$0x8]  }
0x117: {  	s5 =	simm.s32 $0x8D00;
	s11 =	simm.s32 $0xD00;
	s8 =	simm.s32 $0x0  }
0x118: {  	s6 =	simm.s32 $0x1;
	s4 =	rddreg [dreg:$0xb];
	s1 =	simm.s32 $0x34;
	[tilespmem:v8+s28+$0x0] =	vst.idx.msk $0x3ff, v6  }
0x119: {  	[hbm4b:s31+s0] =	stream.linear.scatter [tilespmem:s28], [sflag:$0x2], $0x8000, $0x38;
	[tilespmem:$0x10D00] =	vst v63  }
.LBB2_4:
0x11a: {  	_ =	swait.ge [sflag:s6], $0x8000  }
0x11b: {  	[sflag:s6] =	ssyncset.done $0x0  }
0x11c: {  	[sflag:s6] =	ssyncadd.s32 $0xFFFF8000  }
0x11d: {  	v8 =	vld [tilespmem:s1+$0xFFFFFFCC];
	_ =	sdelay $0x4  }
0x11e: {  	v9 =	vshll.u32 v8, $0x3  }
0x11f: {  	v8 =	vand.u32 $0x7F, v8;
	v9 =	vand.u32 $0xFFFFFC00, v9  }
0x120: {  	v8 =	vor.u32 v8, v9  }
0x121: {  	v8 =	vadd.s32 v5, v8;
	_ =	sdelay $0x4  }
0x122: {  	[tilespmem:v8+s11+$0x0] =	vst.idx.msk $0xffff, v4  }
0x123: {  	v8 =	vld [tilespmem:s1+$0xFFFFFFDC];
	_ =	sdelay $0x4  }
0x124: {  	v57 =	vshll.u32 v8, $0x3  }
0x125: {  	v8 =	vand.u32 $0x7F, v8;
	v9 =	vand.u32 $0xFFFFFC00, v57  }
0x126: {  	v8 =	vor.u32 v8, v9  }
0x127: {  	v8 =	vadd.s32 v7, v8;
	_ =	sdelay $0x4  }
0x128: {  	[tilespmem:v8+s11+$0x0] =	vst.idx.msk $0x3ff, v4  }
0x129: {  	v8 =	vld [tilespmem:s1+$0x0];
	_ =	sdelay $0x4  }
0x12a: {  	v58 =	vshll.u32 v8, $0x3  }
0x12b: {  	v8 =	vand.u32 $0x7F, v8;
	v9 =	vand.u32 $0xFFFFFC00, v58  }
0x12c: {  	v8 =	vor.u32 v8, v9  }
0x12d: {  	v8 =	vadd.s32 v5, v8;
	_ =	sdelay $0x4  }
0x12e: {  	[tilespmem:v8+s11+$0x0] =	vst.idx.msk $0xffff, v6  }
0x12f: {  	v8 =	vld [tilespmem:s1+$0x10];
	_ =	sdelay $0x4  }
0x130: {  	v59 =	vshll.u32 v8, $0x3  }
0x131: {  	v8 =	vand.u32 $0x7F, v8;
	v9 =	vand.u32 $0xFFFFFC00, v59  }
0x132: {  	v8 =	vor.u32 v8, v9  }
0x133: {  	v8 =	vadd.s32 v7, v8;
	_ =	sdelay $0x4  }
0x134: {  	s2 =	sadd.s32 s0, s3;
	[tilespmem:v8+s11+$0x0] =	vst.idx.msk $0x3ff, v6  }
0x135: {  	[hbm4b:s2+s8] =	stream.linear.scatter [tilespmem:s11], [sflag:$0x1], $0x8000, $0x38;
	[tilespmem:$0x10D00] =	vst v63  }
0x136: {  	_ =	swait.ge [sflag:s7], $0x8000  }
0x137: {  	[sflag:s7] =	ssyncset.done $0x0  }
0x138: {  	[sflag:s7] =	ssyncadd.s32 $0xFFFF8000  }
0x139: {  	v8 =	vld [tilespmem:s1+$0xFFFFFFE6];
	_ =	sdelay $0x4  }
0x13a: {  	v60 =	vshll.u32 v8, $0x3  }
0x13b: {  	v8 =	vand.u32 $0x7F, v8;
	v9 =	vand.u32 $0xFFFFFC00, v60  }
0x13c: {  	v8 =	vor.u32 v8, v9  }
0x13d: {  	v8 =	vadd.s32 v5, v8;
	_ =	sdelay $0x4  }
0x13e: {  	[tilespmem:v8+s5+$0x0] =	vst.idx.msk $0xffff, v4  }
0x13f: {  	v8 =	vld [tilespmem:s1+$0xFFFFFFF6];
	_ =	sdelay $0x4  }
0x140: {  	v61 =	vshll.u32 v8, $0x3  }
0x141: {  	v8 =	vand.u32 $0x7F, v8;
	v9 =	vand.u32 $0xFFFFFC00, v61  }
0x142: {  	v8 =	vor.u32 v8, v9  }
0x143: {  	v8 =	vadd.s32 v7, v8;
	_ =	sdelay $0x4  }
0x144: {  	[tilespmem:v8+s5+$0x0] =	vst.idx.msk $0x3ff, v4  }
0x145: {  	v8 =	vld [tilespmem:s1+$0x1A];
	_ =	sdelay $0x4  }
0x146: {  	v62 =	vshll.u32 v8, $0x3  }
0x147: {  	v8 =	vand.u32 $0x7F, v8;
	v9 =	vand.u32 $0xFFFFFC00, v62  }
0x148: {  	v8 =	vor.u32 v8, v9  }
0x149: {  	v8 =	vadd.s32 v5, v8;
	_ =	sdelay $0x4  }
0x14a: {  	[tilespmem:v8+s5+$0x0] =	vst.idx.msk $0xffff, v6  }
0x14b: {  	v8 =	vld [tilespmem:s1+$0x2A];
	_ =	sdelay $0x4  }
0x14c: {  	v63 =	vshll.u32 v8, $0x3  }
0x14d: {  	v8 =	vand.u32 $0x7F, v8;
	v9 =	vand.u32 $0xFFFFFC00, v63  }
0x14e: {  	v8 =	vor.u32 v8, v9  }
0x14f: {  	v8 =	vadd.s32 v7, v8  }
0x150: {  	p0 =	sne.s32 s0, $0x7C000  }
.Ltmp1:
0x151: {  	_ = 	snop;
	(pc) =	sbr.rel @p0 .LBB2_4-.Ltmp1, $3  }
0x152: {  	_ =	sdelay $0x1  }
0x153: {  	s31 =	sadd.s32 s0, s4;
	s0 =	sadd.s32 $0x2000, s0;
	s1 =	sadd.s32 $0x34, s1;
	[tilespmem:v8+s5+$0x0] =	vst.idx.msk $0x3ff, v6  }
0x154: {  	[hbm4b:s31+s8] =	stream.linear.scatter [tilespmem:s5], [sflag:$0x2], $0x8000, $0x38;
	[tilespmem:$0x10D00] =	vst v63  }
0x155: {  	_ =	swait.ge [sflag:s6], $0x8000  }
0x156: {  	[sflag:s6] =	ssyncset.done $0x0  }
0x157: {  	[sflag:s6] =	ssyncadd.s32 $0xFFFF8000  }
0x158: {  	_ =	swait.ge [sflag:s7], $0x8000  }
0x159: {  	s1 =	rddreg [dreg:$0xc]  }
0x15a: {  	s0 =	rddreg [dreg:$0x9];
	s1 =	sadd.s32 $0x1, s1  }
0x15b: {  	p0 =	sne.s32 s1, s0  }
.Ltmp2:
0x15c: {  	_ = 	snop;
	(pc) =	sbr.rel @p0 .LBB2_1-.Ltmp2, $3  }
0x15d: {  	_ =	sdelay $0x1  }
0x15e: {  	[sflag:s7] =	ssyncset.done $0x0  }
0x15f: {  	[sflag:s7] =	ssyncadd.s32 $0xFFFF8000  }
0x160: {  	_ =	sfence.sel $0x180000  }
0x161: {  	[bflag:$0x0] =	sbarrier.arrive $0xFFFF  }
0x162: {  	_ =	strace $0x90000047  }
0x163: {  	s0 =	stileid.u32;
	[bflag:$0x2] =	sbarrier.arrive $0xFFFF  }
0x164: {  	p0 =	sne.s32 s0, $0x0;
	s0 =	rddreg [dreg:$0x2]  }
0x165: {  	s0 =	sadd.s32 @!p0 $0x100000, s0  }
0x166: {  	[sflag:s0] =	ssyncadd.tile.s32 @!p0 $0x1;
	_ =	shalt  }
.Lfunc_end2:
_tile_overlayer_lowered:
.L_overlay_start_2:
0x167: {  	(tag) =	ssettag $0x2  }
0x168: {  	s0 =	rddreg [dreg:$0x0];
	s2 =	stileid.u32  }
0x169: {  	s1 =	rddreg [dreg:$0x1];
	p0 =	sne.s32 s2, $0x0  }
0x16a: {  	s3 =	rddreg [dreg:$0x2];
	[bflag:$0x3] =	sbarrier.arrive $0xFFFF;
	s2 =	simm.s32 @!p0 $0x1C03  }
0x16b: {  	[timem:s3], [sflag:s2] =	dma.local @!p0 [hbm:s0], s1  }
0x16c: {  	s0 =	simm.s32 @!p0 $0x3  }
0x16d: {  	_ =	swait.ge @!p0 [sflag:s0], s1  }
0x16e: {  	s1 =	ssub.s32 @!p0 $0x0, s1;
	[sflag:s0] =	ssyncset.done @!p0 $0x0  }
0x16f: {  	[sflag:s0] =	ssyncadd.s32 @!p0 s1  }
0x170: {  	[bflag:$0x3] =	sbarrier.arrive $0xFFFF  }
0x171: {  	_ =	shalt  }

</sc_bundles>
